<compile_context>
chip_gen: v7x
topology: tpu7x:2x2x1
jax: 0.10.2.dev20260603
libtpu: 0.0.44.dev20260713+nightly
codegen_flags: <defaults>
</compile_context>

<pallas_src>
import functools

import jax
import jax.numpy as jnp
from jax import lax
from jax.experimental import pallas as pl
from jax.experimental.pallas import tpu as pltpu
from jax.experimental.pallas import tpu_sc as plsc

B = 4096
E = 128
SD = 128
NEG = 5
NP = 3 + 2 * NEG

NC = 2
NS = 16
NW = NC * NS
BPW = B // NW


@functools.cache
def _build_sc_gather():
    mesh = plsc.VectorSubcoreMesh(core_axis_name="c", subcore_axis_name="s")

    @functools.partial(
        pl.kernel,
        mesh=mesh,
        out_type=jax.ShapeDtypeStruct((NP * B, E), jnp.float32),
        scratch_types=[
            pltpu.VMEM((7, BPW), jnp.int32),
            pltpu.VMEM((4, BPW, E), jnp.float32),
            pltpu.SemaphoreType.DMA,
            pltpu.SemaphoreType.DMA,
            pltpu.SemaphoreType.DMA,
            pltpu.SemaphoreType.DMA,
            pltpu.SemaphoreType.DMA,
            pltpu.SemaphoreType.DMA,
            pltpu.SemaphoreType.DMA,
            pltpu.SemaphoreType.DMA,
        ],
    )
    def _sc_gather(idx_all_h, WI_h, WO_h, SE_h, out_h,
                   idx_v, bufs, g0, g1, g2, g3, w0, w1, w2, w3):
        wid = lax.axis_index("s") * NC + lax.axis_index("c")
        base = wid * BPW

        pltpu.sync_copy(idx_all_h.at[wid], idx_v)

        tasks = [(0, WI_h, 0), (1, WO_h, 1), (1, SE_h, 2)]
        for n in range(NEG):
            tasks.append((2 + n, WO_h, 3 + n))
        for n in range(NEG):
            tasks.append((2 + n, SE_h, 3 + NEG + n))

        NB = 4
        gsems = (g0, g1, g2, g3)
        wsems = (w0, w1, w2, w3)
        gcopies = [None] * NB
        wcopies = [None] * NB
        NT = len(tasks)

        def startg(t):
            slot = t % NB
            j, tab_h, _ = tasks[t]
            gcopies[slot] = pltpu.async_copy(tab_h.at[idx_v.at[j]],
                                             bufs.at[slot], gsems[slot])

        for t in range(NB):
            startg(t)
        for t in range(NT):
            slot = t % NB
            gcopies[slot].wait()
            _, _, p = tasks[t]
            wcopies[slot] = pltpu.async_copy(
                bufs.at[slot], out_h.at[pl.ds(p * B + base, BPW)],
                wsems[slot])
            r = t - 2
            if r >= 0 and r + NB < NT:
                wcopies[r % NB].wait()
                startg(r + NB)
        for t in range(max(0, NT - NB - 2), NT):
            if wcopies[t % NB] is not None:
                wcopies[t % NB].wait()
                wcopies[t % NB] = None

    return _sc_gather


BC = 1024


def _log_sigmoid(z):
    return jnp.minimum(z, 0.0) - jnp.log1p(jnp.exp(-jnp.abs(z)))


def _tc_body(g_r, f1w_r, f2w_r, f1b_r, f2b_r, out_r):
    i = pl.program_id(0)
    vI = g_r[0]
    U = jnp.dot(vI, f2w_r[...], preferred_element_type=jnp.float32)
    U1 = U[:, :E]
    U2 = U[:, E:]
    f1w = f1w_r[...]
    A1 = jnp.dot(U1, f1w, preferred_element_type=jnp.float32)
    A2 = jnp.dot(U2, f1w, preferred_element_type=jnp.float32)
    f1b = f1b_r[...]
    f2b = f2b_r[...]
    cI = jnp.sum(vI * f2b, axis=1)
    c1 = jnp.sum(U1 * f1b, axis=1)
    c2 = jnp.sum(U2 * f1b, axis=1)
    pos = jnp.sum(U1 * g_r[1] + A2 * g_r[2], axis=1) + c2 + cI
    part = -jnp.sum(_log_sigmoid(pos)) / B
    cneg = c1 + cI
    for n in range(NEG):
        zn = jnp.sum(A1 * g_r[3 + n] + U2 * g_r[3 + NEG + n], axis=1) + cneg
        part = part - jnp.sum(_log_sigmoid(-zn))

    @pl.when(i == 0)
    def _init():
        out_r[0, 0] = part

    @pl.when(i > 0)
    def _acc():
        out_r[0, 0] = out_r[0, 0] + part


def _tc_compute(g, f1w, f2w, f1b, f2b):
    grid = (B // BC,)
    return pl.pallas_call(
        _tc_body,
        grid=grid,
        in_specs=[
            pl.BlockSpec((NP, BC, E), lambda i: (0, i, 0)),
            pl.BlockSpec((SD, SD), lambda i: (0, 0)),
            pl.BlockSpec((E, E + SD), lambda i: (0, 0)),
            pl.BlockSpec((1, SD), lambda i: (0, 0)),
            pl.BlockSpec((1, E), lambda i: (0, 0)),
        ],
        out_specs=pl.BlockSpec((1, 1), lambda i: (0, 0),
                               memory_space=pltpu.SMEM),
        out_shape=jax.ShapeDtypeStruct((1, 1), jnp.float32),
    )(g, f1w, f2w, f1b, f2b)


def kernel(x, y, neg, WI, WO, seq_embed, fc1_w, fc1_b, fc2_w, fc2_b):
    xi = x.astype(jnp.int32).reshape(NW, 1, BPW)
    yi = y.astype(jnp.int32).reshape(NW, 1, BPW)
    negr = neg.astype(jnp.int32).reshape(NW, BPW, NEG).transpose(0, 2, 1)
    idx_all = jnp.concatenate([xi, yi, negr], axis=1)
    g = _build_sc_gather()(idx_all, WI, WO, seq_embed)
    out = _tc_compute(g.reshape(NP, B, E), fc1_w, fc2_w,
                      fc1_b.reshape(1, SD), fc2_b.reshape(1, E))
    return out[0, 0]

# --- scband reference (transcript-rebuilt; emitter-appended) ---
"""Pipeline reference for scband-net-34196529610965 (READ-ONLY COPY).

The authoritative reference and input builder live on the scoring server;
editing this copy changes nothing except your own understanding.
"""

import jax, jax.numpy as jnp
import numpy as np

VOCAB = 100000
EMBED = 128
SEQD = 128
BATCH = 4096
NEG = 5


def setup_inputs(seed: int = 0) -> dict:
    key = jax.random.key(seed)
    ks = jax.random.split(key, 10)
    iw = 0.5 / EMBED
    x = jax.random.randint(ks[0], (BATCH,), 0, VOCAB)
    y = jax.random.randint(ks[1], (BATCH,), 0, VOCAB)
    neg = jax.random.randint(ks[2], (BATCH, NEG), 0, VOCAB)
    WI = jax.random.uniform(ks[3], (VOCAB, EMBED), minval=-iw, maxval=iw, dtype=jnp.float32)
    WO = jax.random.uniform(ks[4], (VOCAB, EMBED), minval=-iw, maxval=iw, dtype=jnp.float32)
    seq_embed = jax.random.normal(ks[5], (VOCAB, SEQD), dtype=jnp.float32) * 0.02
    b1 = 1.0 / np.sqrt(SEQD)
    fc1_w = jax.random.uniform(ks[6], (SEQD, SEQD), minval=-b1, maxval=b1, dtype=jnp.float32)
    fc1_b = jax.random.uniform(ks[7], (SEQD,), minval=-b1, maxval=b1, dtype=jnp.float32)
    b2 = 1.0 / np.sqrt(EMBED + SEQD)
    fc2_w = jax.random.uniform(ks[8], (EMBED, EMBED + SEQD), minval=-b2, maxval=b2, dtype=jnp.float32)
    fc2_b = jax.random.uniform(ks[9], (EMBED,), minval=-b2, maxval=b2, dtype=jnp.float32)
    return {"x": x, "y": y, "neg": neg, "WI": WI, "WO": WO, "seq_embed": seq_embed,
            "fc1_w": fc1_w, "fc1_b": fc1_b, "fc2_w": fc2_w, "fc2_b": fc2_b}


def reference(x, y, neg, WI, WO, seq_embed, fc1_w, fc1_b, fc2_w, fc2_b):
    B = x.shape[0]
    E = WI.shape[1]
    x_l = x[None, :]
    y_l = y[None, :]
    vI = jnp.take(WI, x_l, axis=0)            # [1, B, E]
    vO = jnp.take(WO, y_l, axis=0)            # [1, B, E]
    samples = jnp.take(WO, neg, axis=0)       # [B, NEG, E]
    seqO = jnp.take(seq_embed, y_l, axis=0)   # [1, B, S]
    neg_seq = jnp.take(seq_embed, neg, axis=0)  # [B, NEG, S]
    samples = samples @ fc1_w.T + fc1_b
    seqO = seqO @ fc1_w.T + fc1_b
    samples = jnp.concatenate((samples, neg_seq), axis=2)  # [B, NEG, E+S]
    vO = jnp.concatenate((vO, seqO), axis=2)                # [1, B, E+S]
    vO = vO @ fc2_w.T + fc2_b                                # [1, B, E]
    samples = samples @ fc2_w.T + fc2_b                      # [B, NEG, E]
    pos_z = jnp.squeeze(vO * vI)                             # [B, E]
    pos_score = jax.nn.log_sigmoid(jnp.sum(pos_z, axis=1))   # [B]
    neg_z = -jnp.squeeze(jnp.matmul(samples, vI.reshape(B, E, 1)))  # [B, NEG]
    neg_score = jax.nn.log_sigmoid(neg_z)
    loss = -pos_score - jnp.sum(neg_score)
    return jnp.mean(loss)

if __name__ == "__main__":
    import jax
    _d = setup_inputs()
    print(jax.jit(kernel)(*tuple(_d.values())))

</pallas_src>

<mosaic_0001>
#map = affine_map<(d0, d1) -> (0, 0, 0)>
#map1 = affine_map<(d0, d1) -> (0, 0)>
module attributes {stable_mosaic.version = 14 : i64} {
  func.func @_sc_gather(%arg0: i32, %arg1: i32, %arg2: memref<32x7x128xi32, #tpu.memory_space<hbm>>, %arg3: memref<100000x128xf32, #tpu.memory_space<hbm>>, %arg4: memref<100000x128xf32, #tpu.memory_space<hbm>>, %arg5: memref<100000x128xf32, #tpu.memory_space<hbm>>, %arg6: memref<53248x128xf32, #tpu.memory_space<hbm>>, %arg7: memref<7x128xi32, #tpu.memory_space<vmem>>, %arg8: memref<4x128x128xf32, #tpu.memory_space<vmem>>, %arg9: memref<!tpu.dma_semaphore, #tpu.memory_space<semaphore_mem>>, %arg10: memref<!tpu.dma_semaphore, #tpu.memory_space<semaphore_mem>>, %arg11: memref<!tpu.dma_semaphore, #tpu.memory_space<semaphore_mem>>, %arg12: memref<!tpu.dma_semaphore, #tpu.memory_space<semaphore_mem>>, %arg13: memref<!tpu.dma_semaphore, #tpu.memory_space<semaphore_mem>>, %arg14: memref<!tpu.dma_semaphore, #tpu.memory_space<semaphore_mem>>, %arg15: memref<!tpu.dma_semaphore, #tpu.memory_space<semaphore_mem>>, %arg16: memref<!tpu.dma_semaphore, #tpu.memory_space<semaphore_mem>>) attributes {dimension_semantics = [#tpu.dimension_semantics<core_parallel>, #tpu.dimension_semantics<subcore_parallel>], iteration_bounds = array<i64: 2, 16>, scalar_prefetch = 0 : i64, scratch_operands = 10 : i64, tpu.core_type = #tpu.core_type<sc_vector_subcore>, window_params = [{transform_indices = #map}, {transform_indices = #map1}, {transform_indices = #map1}, {transform_indices = #map1}, {transform_indices = #map1}]} {
    %mul3A = arith.constant 2 : i32
    %mul3A_0 = arith.muli %arg1, %mul3A : i32
    %add3A = arith.addi %mul3A_0, %arg0 : i32
    %mul3A_1 = arith.constant 128 : i32
    %mul3A_2 = arith.muli %add3A, %mul3A_1 : i32
    "tpu.region"() ({
      %run_scoped3A = tpu.sem_alloc : memref<!tpu.dma_semaphore, #tpu.memory_space<semaphore_mem>>
      %dma_start3A_677 = arith.constant 0 : i32
      %dma_start3A_678 = arith.constant 0 : i32
      %dma_start3A_679 = tpu.memref_slice %arg2[%add3A, %dma_start3A_677, %dma_start3A_678] : memref<32x7x128xi32, #tpu.memory_space<hbm>> -> memref<1x7x128xi32, #tpu.memory_space<hbm>>
      %dma_start3A_680 = tpu.memref_squeeze %dma_start3A_679 : memref<1x7x128xi32, #tpu.memory_space<hbm>> -> memref<7x128xi32, #tpu.memory_space<hbm>>
      %dma_start3A_681 = arith.constant 0 : i32
      %dma_start3A_682 = arith.constant 0 : i32
      %dma_start3A_683 = tpu.memref_slice %arg2[%add3A, %dma_start3A_681, %dma_start3A_682] : memref<32x7x128xi32, #tpu.memory_space<hbm>> -> memref<1x7x128xi32, #tpu.memory_space<hbm>>
      %dma_start3A_684 = tpu.memref_squeeze %dma_start3A_683 : memref<1x7x128xi32, #tpu.memory_space<hbm>> -> memref<7x128xi32, #tpu.memory_space<hbm>>
      tpu.enqueue_dma source(%dma_start3A_684 : memref<7x128xi32, #tpu.memory_space<hbm>>) target(%arg7 : memref<7x128xi32, #tpu.memory_space<vmem>>) target_semaphore(%run_scoped3A : memref<!tpu.dma_semaphore, #tpu.memory_space<semaphore_mem>>)
      %dma_wait3A_685 = arith.constant 0 : i32
      %dma_wait3A_686 = arith.constant 0 : i32
      %dma_wait3A_687 = tpu.memref_slice %arg2[%add3A, %dma_wait3A_685, %dma_wait3A_686] : memref<32x7x128xi32, #tpu.memory_space<hbm>> -> memref<1x7x128xi32, #tpu.memory_space<hbm>>
      %dma_wait3A_688 = tpu.memref_squeeze %dma_wait3A_687 : memref<1x7x128xi32, #tpu.memory_space<hbm>> -> memref<7x128xi32, #tpu.memory_space<hbm>>
      %dma_wait3A_689 = arith.constant 0 : i32
      %dma_wait3A_690 = arith.constant 0 : i32
      %dma_wait3A_691 = tpu.memref_slice %arg2[%add3A, %dma_wait3A_689, %dma_wait3A_690] : memref<32x7x128xi32, #tpu.memory_space<hbm>> -> memref<1x7x128xi32, #tpu.memory_space<hbm>>
      %dma_wait3A_692 = tpu.memref_squeeze %dma_wait3A_691 : memref<1x7x128xi32, #tpu.memory_space<hbm>> -> memref<7x128xi32, #tpu.memory_space<hbm>>
      tpu.wait_dma2 semaphore(%run_scoped3A : memref<!tpu.dma_semaphore, #tpu.memory_space<semaphore_mem>>) src(%dma_wait3A_692 : memref<7x128xi32, #tpu.memory_space<hbm>>) dst(%arg7 : memref<7x128xi32, #tpu.memory_space<vmem>>)
      tpu.yield
    }) : () -> ()
    %dma_start3A = arith.constant 0 : i32
    %dma_start3A_3 = arith.constant 0 : i32
    %dma_start3A_4 = arith.constant 0 : i32
    %dma_start3A_5 = arith.constant 0 : i32
    %dma_start3A_6 = tpu.memref_slice %arg8[%dma_start3A_3, %dma_start3A_4, %dma_start3A_5] : memref<4x128x128xf32, #tpu.memory_space<vmem>> -> memref<1x128x128xf32, #tpu.memory_space<vmem>>
    %dma_start3A_7 = tpu.memref_squeeze %dma_start3A_6 : memref<1x128x128xf32, #tpu.memory_space<vmem>> -> memref<128x128xf32, #tpu.memory_space<vmem>>
    %dma_start3A_8 = arith.constant 0 : i32
    %dma_start3A_9 = tpu.memref_slice %arg7[%dma_start3A, %dma_start3A_8] : memref<7x128xi32, #tpu.memory_space<vmem>> -> memref<1x128xi32, #tpu.memory_space<vmem>>
    %dma_start3A_10 = tpu.memref_squeeze %dma_start3A_9 : memref<1x128xi32, #tpu.memory_space<vmem>> -> memref<128xi32, #tpu.memory_space<vmem>>
    %dma_start3A_11 = arith.constant 0 : i32
    %dma_start3A_12 = arith.constant 0 : i32
    %dma_start3A_13 = tpu.memref_slice %arg3[%dma_start3A_11, %dma_start3A_12] : memref<100000x128xf32, #tpu.memory_space<hbm>> -> memref<100000x128xf32, #tpu.memory_space<hbm>>
    tpu.enqueue_indirect_dma source(%dma_start3A_13 : memref<100000x128xf32, #tpu.memory_space<hbm>>) target(%dma_start3A_7 : memref<128x128xf32, #tpu.memory_space<vmem>>) offsets(%dma_start3A_10 : memref<128xi32, #tpu.memory_space<vmem>>) semaphore(%arg9 : memref<!tpu.dma_semaphore, #tpu.memory_space<semaphore_mem>>)
    %dma_start3A_14 = arith.constant 1 : i32
    %dma_start3A_15 = arith.constant 1 : i32
    %dma_start3A_16 = arith.constant 0 : i32
    %dma_start3A_17 = arith.constant 0 : i32
    %dma_start3A_18 = tpu.memref_slice %arg8[%dma_start3A_15, %dma_start3A_16, %dma_start3A_17] : memref<4x128x128xf32, #tpu.memory_space<vmem>> -> memref<1x128x128xf32, #tpu.memory_space<vmem>>
    %dma_start3A_19 = tpu.memref_squeeze %dma_start3A_18 : memref<1x128x128xf32, #tpu.memory_space<vmem>> -> memref<128x128xf32, #tpu.memory_space<vmem>>
    %dma_start3A_20 = arith.constant 0 : i32
    %dma_start3A_21 = tpu.memref_slice %arg7[%dma_start3A_14, %dma_start3A_20] : memref<7x128xi32, #tpu.memory_space<vmem>> -> memref<1x128xi32, #tpu.memory_space<vmem>>
    %dma_start3A_22 = tpu.memref_squeeze %dma_start3A_21 : memref<1x128xi32, #tpu.memory_space<vmem>> -> memref<128xi32, #tpu.memory_space<vmem>>
    %dma_start3A_23 = arith.constant 0 : i32
    %dma_start3A_24 = arith.constant 0 : i32
    %dma_start3A_25 = tpu.memref_slice %arg4[%dma_start3A_23, %dma_start3A_24] : memref<100000x128xf32, #tpu.memory_space<hbm>> -> memref<100000x128xf32, #tpu.memory_space<hbm>>
    tpu.enqueue_indirect_dma source(%dma_start3A_25 : memref<100000x128xf32, #tpu.memory_space<hbm>>) target(%dma_start3A_19 : memref<128x128xf32, #tpu.memory_space<vmem>>) offsets(%dma_start3A_22 : memref<128xi32, #tpu.memory_space<vmem>>) semaphore(%arg10 : memref<!tpu.dma_semaphore, #tpu.memory_space<semaphore_mem>>)
    %dma_start3A_26 = arith.constant 1 : i32
    %dma_start3A_27 = arith.constant 2 : i32
    %dma_start3A_28 = arith.constant 0 : i32
    %dma_start3A_29 = arith.constant 0 : i32
    %dma_start3A_30 = tpu.memref_slice %arg8[%dma_start3A_27, %dma_start3A_28, %dma_start3A_29] : memref<4x128x128xf32, #tpu.memory_space<vmem>> -> memref<1x128x128xf32, #tpu.memory_space<vmem>>
    %dma_start3A_31 = tpu.memref_squeeze %dma_start3A_30 : memref<1x128x128xf32, #tpu.memory_space<vmem>> -> memref<128x128xf32, #tpu.memory_space<vmem>>
    %dma_start3A_32 = arith.constant 0 : i32
    %dma_start3A_33 = tpu.memref_slice %arg7[%dma_start3A_26, %dma_start3A_32] : memref<7x128xi32, #tpu.memory_space<vmem>> -> memref<1x128xi32, #tpu.memory_space<vmem>>
    %dma_start3A_34 = tpu.memref_squeeze %dma_start3A_33 : memref<1x128xi32, #tpu.memory_space<vmem>> -> memref<128xi32, #tpu.memory_space<vmem>>
    %dma_start3A_35 = arith.constant 0 : i32
    %dma_start3A_36 = arith.constant 0 : i32
    %dma_start3A_37 = tpu.memref_slice %arg5[%dma_start3A_35, %dma_start3A_36] : memref<100000x128xf32, #tpu.memory_space<hbm>> -> memref<100000x128xf32, #tpu.memory_space<hbm>>
    tpu.enqueue_indirect_dma source(%dma_start3A_37 : memref<100000x128xf32, #tpu.memory_space<hbm>>) target(%dma_start3A_31 : memref<128x128xf32, #tpu.memory_space<vmem>>) offsets(%dma_start3A_34 : memref<128xi32, #tpu.memory_space<vmem>>) semaphore(%arg11 : memref<!tpu.dma_semaphore, #tpu.memory_space<semaphore_mem>>)
    %dma_start3A_38 = arith.constant 2 : i32
    %dma_start3A_39 = arith.constant 3 : i32
    %dma_start3A_40 = arith.constant 0 : i32
    %dma_start3A_41 = arith.constant 0 : i32
    %dma_start3A_42 = tpu.memref_slice %arg8[%dma_start3A_39, %dma_start3A_40, %dma_start3A_41] : memref<4x128x128xf32, #tpu.memory_space<vmem>> -> memref<1x128x128xf32, #tpu.memory_space<vmem>>
    %dma_start3A_43 = tpu.memref_squeeze %dma_start3A_42 : memref<1x128x128xf32, #tpu.memory_space<vmem>> -> memref<128x128xf32, #tpu.memory_space<vmem>>
    %dma_start3A_44 = arith.constant 0 : i32
    %dma_start3A_45 = tpu.memref_slice %arg7[%dma_start3A_38, %dma_start3A_44] : memref<7x128xi32, #tpu.memory_space<vmem>> -> memref<1x128xi32, #tpu.memory_space<vmem>>
    %dma_start3A_46 = tpu.memref_squeeze %dma_start3A_45 : memref<1x128xi32, #tpu.memory_space<vmem>> -> memref<128xi32, #tpu.memory_space<vmem>>
    %dma_start3A_47 = arith.constant 0 : i32
    %dma_start3A_48 = arith.constant 0 : i32
    %dma_start3A_49 = tpu.memref_slice %arg4[%dma_start3A_47, %dma_start3A_48] : memref<100000x128xf32, #tpu.memory_space<hbm>> -> memref<100000x128xf32, #tpu.memory_space<hbm>>
    tpu.enqueue_indirect_dma source(%dma_start3A_49 : memref<100000x128xf32, #tpu.memory_space<hbm>>) target(%dma_start3A_43 : memref<128x128xf32, #tpu.memory_space<vmem>>) offsets(%dma_start3A_46 : memref<128xi32, #tpu.memory_space<vmem>>) semaphore(%arg12 : memref<!tpu.dma_semaphore, #tpu.memory_space<semaphore_mem>>)
    %dma_wait3A = arith.constant 0 : i32
    %dma_wait3A_50 = arith.constant 0 : i32
    %dma_wait3A_51 = arith.constant 0 : i32
    %dma_wait3A_52 = arith.constant 0 : i32
    %dma_wait3A_53 = tpu.memref_slice %arg8[%dma_wait3A_50, %dma_wait3A_51, %dma_wait3A_52] : memref<4x128x128xf32, #tpu.memory_space<vmem>> -> memref<1x128x128xf32, #tpu.memory_space<vmem>>
    %dma_wait3A_54 = tpu.memref_squeeze %dma_wait3A_53 : memref<1x128x128xf32, #tpu.memory_space<vmem>> -> memref<128x128xf32, #tpu.memory_space<vmem>>
    %dma_wait3A_55 = arith.constant 0 : i32
    %dma_wait3A_56 = tpu.memref_slice %arg7[%dma_wait3A, %dma_wait3A_55] : memref<7x128xi32, #tpu.memory_space<vmem>> -> memref<1x128xi32, #tpu.memory_space<vmem>>
    %dma_wait3A_57 = tpu.memref_squeeze %dma_wait3A_56 : memref<1x128xi32, #tpu.memory_space<vmem>> -> memref<128xi32, #tpu.memory_space<vmem>>
    %dma_wait3A_58 = arith.constant 0 : i32
    %dma_wait3A_59 = arith.constant 0 : i32
    %dma_wait3A_60 = tpu.memref_slice %arg3[%dma_wait3A_58, %dma_wait3A_59] : memref<100000x128xf32, #tpu.memory_space<hbm>> -> memref<100000x128xf32, #tpu.memory_space<hbm>>
    tpu.wait_indirect_dma semaphore(%arg9 : memref<!tpu.dma_semaphore, #tpu.memory_space<semaphore_mem>>) src(%dma_wait3A_60 : memref<100000x128xf32, #tpu.memory_space<hbm>>) dst(%dma_wait3A_54 : memref<128x128xf32, #tpu.memory_space<vmem>>)
    %add3A_61 = arith.constant 0 : i32
    %add3A_62 = arith.addi %add3A_61, %mul3A_2 : i32
    %dma_start3A_63 = arith.constant 0 : i32
    %dma_start3A_64 = arith.constant 0 : i32
    %dma_start3A_65 = arith.constant 0 : i32
    %dma_start3A_66 = tpu.memref_slice %arg8[%dma_start3A_63, %dma_start3A_64, %dma_start3A_65] : memref<4x128x128xf32, #tpu.memory_space<vmem>> -> memref<1x128x128xf32, #tpu.memory_space<vmem>>
    %dma_start3A_67 = tpu.memref_squeeze %dma_start3A_66 : memref<1x128x128xf32, #tpu.memory_space<vmem>> -> memref<128x128xf32, #tpu.memory_space<vmem>>
    %dma_start3A_68 = arith.constant 0 : i32
    %dma_start3A_69 = tpu.memref_slice %arg6[%add3A_62, %dma_start3A_68] : memref<53248x128xf32, #tpu.memory_space<hbm>> -> memref<128x128xf32, #tpu.memory_space<hbm>>
    %dma_start3A_70 = arith.constant 0 : i32
    %dma_start3A_71 = tpu.memref_slice %arg6[%add3A_62, %dma_start3A_70] : memref<53248x128xf32, #tpu.memory_space<hbm>> -> memref<128x128xf32, #tpu.memory_space<hbm>>
    %dma_start3A_72 = arith.constant 0 : i32
    %dma_start3A_73 = arith.constant 0 : i32
    %dma_start3A_74 = tpu.memref_slice %arg8[%dma_start3A_63, %dma_start3A_72, %dma_start3A_73] : memref<4x128x128xf32, #tpu.memory_space<vmem>> -> memref<1x128x128xf32, #tpu.memory_space<vmem>>
    %dma_start3A_75 = tpu.memref_squeeze %dma_start3A_74 : memref<1x128x128xf32, #tpu.memory_space<vmem>> -> memref<128x128xf32, #tpu.memory_space<vmem>>
    tpu.enqueue_dma source(%dma_start3A_75 : memref<128x128xf32, #tpu.memory_space<vmem>>) target(%dma_start3A_71 : memref<128x128xf32, #tpu.memory_space<hbm>>) target_semaphore(%arg13 : memref<!tpu.dma_semaphore, #tpu.memory_space<semaphore_mem>>)
    %dma_wait3A_76 = arith.constant 1 : i32
    %dma_wait3A_77 = arith.constant 1 : i32
    %dma_wait3A_78 = arith.constant 0 : i32
    %dma_wait3A_79 = arith.constant 0 : i32
    %dma_wait3A_80 = tpu.memref_slice %arg8[%dma_wait3A_77, %dma_wait3A_78, %dma_wait3A_79] : memref<4x128x128xf32, #tpu.memory_space<vmem>> -> memref<1x128x128xf32, #tpu.memory_space<vmem>>
    %dma_wait3A_81 = tpu.memref_squeeze %dma_wait3A_80 : memref<1x128x128xf32, #tpu.memory_space<vmem>> -> memref<128x128xf32, #tpu.memory_space<vmem>>
    %dma_wait3A_82 = arith.constant 0 : i32
    %dma_wait3A_83 = tpu.memref_slice %arg7[%dma_wait3A_76, %dma_wait3A_82] : memref<7x128xi32, #tpu.memory_space<vmem>> -> memref<1x128xi32, #tpu.memory_space<vmem>>
    %dma_wait3A_84 = tpu.memref_squeeze %dma_wait3A_83 : memref<1x128xi32, #tpu.memory_space<vmem>> -> memref<128xi32, #tpu.memory_space<vmem>>
    %dma_wait3A_85 = arith.constant 0 : i32
    %dma_wait3A_86 = arith.constant 0 : i32
    %dma_wait3A_87 = tpu.memref_slice %arg4[%dma_wait3A_85, %dma_wait3A_86] : memref<100000x128xf32, #tpu.memory_space<hbm>> -> memref<100000x128xf32, #tpu.memory_space<hbm>>
    tpu.wait_indirect_dma semaphore(%arg10 : memref<!tpu.dma_semaphore, #tpu.memory_space<semaphore_mem>>) src(%dma_wait3A_87 : memref<100000x128xf32, #tpu.memory_space<hbm>>) dst(%dma_wait3A_81 : memref<128x128xf32, #tpu.memory_space<vmem>>)
    %add3A_88 = arith.constant 4096 : i32
    %add3A_89 = arith.addi %add3A_88, %mul3A_2 : i32
    %dma_start3A_90 = arith.constant 1 : i32
    %dma_start3A_91 = arith.constant 0 : i32
    %dma_start3A_92 = arith.constant 0 : i32
    %dma_start3A_93 = tpu.memref_slice %arg8[%dma_start3A_90, %dma_start3A_91, %dma_start3A_92] : memref<4x128x128xf32, #tpu.memory_space<vmem>> -> memref<1x128x128xf32, #tpu.memory_space<vmem>>
    %dma_start3A_94 = tpu.memref_squeeze %dma_start3A_93 : memref<1x128x128xf32, #tpu.memory_space<vmem>> -> memref<128x128xf32, #tpu.memory_space<vmem>>
    %dma_start3A_95 = arith.constant 0 : i32
    %dma_start3A_96 = tpu.memref_slice %arg6[%add3A_89, %dma_start3A_95] : memref<53248x128xf32, #tpu.memory_space<hbm>> -> memref<128x128xf32, #tpu.memory_space<hbm>>
    %dma_start3A_97 = arith.constant 0 : i32
    %dma_start3A_98 = tpu.memref_slice %arg6[%add3A_89, %dma_start3A_97] : memref<53248x128xf32, #tpu.memory_space<hbm>> -> memref<128x128xf32, #tpu.memory_space<hbm>>
    %dma_start3A_99 = arith.constant 0 : i32
    %dma_start3A_100 = arith.constant 0 : i32
    %dma_start3A_101 = tpu.memref_slice %arg8[%dma_start3A_90, %dma_start3A_99, %dma_start3A_100] : memref<4x128x128xf32, #tpu.memory_space<vmem>> -> memref<1x128x128xf32, #tpu.memory_space<vmem>>
    %dma_start3A_102 = tpu.memref_squeeze %dma_start3A_101 : memref<1x128x128xf32, #tpu.memory_space<vmem>> -> memref<128x128xf32, #tpu.memory_space<vmem>>
    tpu.enqueue_dma source(%dma_start3A_102 : memref<128x128xf32, #tpu.memory_space<vmem>>) target(%dma_start3A_98 : memref<128x128xf32, #tpu.memory_space<hbm>>) target_semaphore(%arg14 : memref<!tpu.dma_semaphore, #tpu.memory_space<semaphore_mem>>)
    %dma_wait3A_103 = arith.constant 1 : i32
    %dma_wait3A_104 = arith.constant 2 : i32
    %dma_wait3A_105 = arith.constant 0 : i32
    %dma_wait3A_106 = arith.constant 0 : i32
    %dma_wait3A_107 = tpu.memref_slice %arg8[%dma_wait3A_104, %dma_wait3A_105, %dma_wait3A_106] : memref<4x128x128xf32, #tpu.memory_space<vmem>> -> memref<1x128x128xf32, #tpu.memory_space<vmem>>
    %dma_wait3A_108 = tpu.memref_squeeze %dma_wait3A_107 : memref<1x128x128xf32, #tpu.memory_space<vmem>> -> memref<128x128xf32, #tpu.memory_space<vmem>>
    %dma_wait3A_109 = arith.constant 0 : i32
    %dma_wait3A_110 = tpu.memref_slice %arg7[%dma_wait3A_103, %dma_wait3A_109] : memref<7x128xi32, #tpu.memory_space<vmem>> -> memref<1x128xi32, #tpu.memory_space<vmem>>
    %dma_wait3A_111 = tpu.memref_squeeze %dma_wait3A_110 : memref<1x128xi32, #tpu.memory_space<vmem>> -> memref<128xi32, #tpu.memory_space<vmem>>
    %dma_wait3A_112 = arith.constant 0 : i32
    %dma_wait3A_113 = arith.constant 0 : i32
    %dma_wait3A_114 = tpu.memref_slice %arg5[%dma_wait3A_112, %dma_wait3A_113] : memref<100000x128xf32, #tpu.memory_space<hbm>> -> memref<100000x128xf32, #tpu.memory_space<hbm>>
    tpu.wait_indirect_dma semaphore(%arg11 : memref<!tpu.dma_semaphore, #tpu.memory_space<semaphore_mem>>) src(%dma_wait3A_114 : memref<100000x128xf32, #tpu.memory_space<hbm>>) dst(%dma_wait3A_108 : memref<128x128xf32, #tpu.memory_space<vmem>>)
    %add3A_115 = arith.constant 8192 : i32
    %add3A_116 = arith.addi %add3A_115, %mul3A_2 : i32
    %dma_start3A_117 = arith.constant 2 : i32
    %dma_start3A_118 = arith.constant 0 : i32
    %dma_start3A_119 = arith.constant 0 : i32
    %dma_start3A_120 = tpu.memref_slice %arg8[%dma_start3A_117, %dma_start3A_118, %dma_start3A_119] : memref<4x128x128xf32, #tpu.memory_space<vmem>> -> memref<1x128x128xf32, #tpu.memory_space<vmem>>
    %dma_start3A_121 = tpu.memref_squeeze %dma_start3A_120 : memref<1x128x128xf32, #tpu.memory_space<vmem>> -> memref<128x128xf32, #tpu.memory_space<vmem>>
    %dma_start3A_122 = arith.constant 0 : i32
    %dma_start3A_123 = tpu.memref_slice %arg6[%add3A_116, %dma_start3A_122] : memref<53248x128xf32, #tpu.memory_space<hbm>> -> memref<128x128xf32, #tpu.memory_space<hbm>>
    %dma_start3A_124 = arith.constant 0 : i32
    %dma_start3A_125 = tpu.memref_slice %arg6[%add3A_116, %dma_start3A_124] : memref<53248x128xf32, #tpu.memory_space<hbm>> -> memref<128x128xf32, #tpu.memory_space<hbm>>
    %dma_start3A_126 = arith.constant 0 : i32
    %dma_start3A_127 = arith.constant 0 : i32
    %dma_start3A_128 = tpu.memref_slice %arg8[%dma_start3A_117, %dma_start3A_126, %dma_start3A_127] : memref<4x128x128xf32, #tpu.memory_space<vmem>> -> memref<1x128x128xf32, #tpu.memory_space<vmem>>
    %dma_start3A_129 = tpu.memref_squeeze %dma_start3A_128 : memref<1x128x128xf32, #tpu.memory_space<vmem>> -> memref<128x128xf32, #tpu.memory_space<vmem>>
    tpu.enqueue_dma source(%dma_start3A_129 : memref<128x128xf32, #tpu.memory_space<vmem>>) target(%dma_start3A_125 : memref<128x128xf32, #tpu.memory_space<hbm>>) target_semaphore(%arg15 : memref<!tpu.dma_semaphore, #tpu.memory_space<semaphore_mem>>)
    %dma_wait3A_130 = arith.constant 0 : i32
    %dma_wait3A_131 = arith.constant 0 : i32
    %dma_wait3A_132 = arith.constant 0 : i32
    %dma_wait3A_133 = tpu.memref_slice %arg8[%dma_wait3A_130, %dma_wait3A_131, %dma_wait3A_132] : memref<4x128x128xf32, #tpu.memory_space<vmem>> -> memref<1x128x128xf32, #tpu.memory_space<vmem>>
    %dma_wait3A_134 = tpu.memref_squeeze %dma_wait3A_133 : memref<1x128x128xf32, #tpu.memory_space<vmem>> -> memref<128x128xf32, #tpu.memory_space<vmem>>
    %dma_wait3A_135 = arith.constant 0 : i32
    %dma_wait3A_136 = tpu.memref_slice %arg6[%add3A_62, %dma_wait3A_135] : memref<53248x128xf32, #tpu.memory_space<hbm>> -> memref<128x128xf32, #tpu.memory_space<hbm>>
    %dma_wait3A_137 = arith.constant 0 : i32
    %dma_wait3A_138 = tpu.memref_slice %arg6[%add3A_62, %dma_wait3A_137] : memref<53248x128xf32, #tpu.memory_space<hbm>> -> memref<128x128xf32, #tpu.memory_space<hbm>>
    %dma_wait3A_139 = arith.constant 0 : i32
    %dma_wait3A_140 = arith.constant 0 : i32
    %dma_wait3A_141 = tpu.memref_slice %arg8[%dma_wait3A_130, %dma_wait3A_139, %dma_wait3A_140] : memref<4x128x128xf32, #tpu.memory_space<vmem>> -> memref<1x128x128xf32, #tpu.memory_space<vmem>>
    %dma_wait3A_142 = tpu.memref_squeeze %dma_wait3A_141 : memref<1x128x128xf32, #tpu.memory_space<vmem>> -> memref<128x128xf32, #tpu.memory_space<vmem>>
    tpu.wait_dma2 semaphore(%arg13 : memref<!tpu.dma_semaphore, #tpu.memory_space<semaphore_mem>>) src(%dma_wait3A_142 : memref<128x128xf32, #tpu.memory_space<vmem>>) dst(%dma_wait3A_138 : memref<128x128xf32, #tpu.memory_space<hbm>>)
    %dma_start3A_143 = arith.constant 3 : i32
    %dma_start3A_144 = arith.constant 0 : i32
    %dma_start3A_145 = arith.constant 0 : i32
    %dma_start3A_146 = arith.constant 0 : i32
    %dma_start3A_147 = tpu.memref_slice %arg8[%dma_start3A_144, %dma_start3A_145, %dma_start3A_146] : memref<4x128x128xf32, #tpu.memory_space<vmem>> -> memref<1x128x128xf32, #tpu.memory_space<vmem>>
    %dma_start3A_148 = tpu.memref_squeeze %dma_start3A_147 : memref<1x128x128xf32, #tpu.memory_space<vmem>> -> memref<128x128xf32, #tpu.memory_space<vmem>>
    %dma_start3A_149 = arith.constant 0 : i32
    %dma_start3A_150 = tpu.memref_slice %arg7[%dma_start3A_143, %dma_start3A_149] : memref<7x128xi32, #tpu.memory_space<vmem>> -> memref<1x128xi32, #tpu.memory_space<vmem>>
    %dma_start3A_151 = tpu.memref_squeeze %dma_start3A_150 : memref<1x128xi32, #tpu.memory_space<vmem>> -> memref<128xi32, #tpu.memory_space<vmem>>
    %dma_start3A_152 = arith.constant 0 : i32
    %dma_start3A_153 = arith.constant 0 : i32
    %dma_start3A_154 = tpu.memref_slice %arg4[%dma_start3A_152, %dma_start3A_153] : memref<100000x128xf32, #tpu.memory_space<hbm>> -> memref<100000x128xf32, #tpu.memory_space<hbm>>
    tpu.enqueue_indirect_dma source(%dma_start3A_154 : memref<100000x128xf32, #tpu.memory_space<hbm>>) target(%dma_start3A_148 : memref<128x128xf32, #tpu.memory_space<vmem>>) offsets(%dma_start3A_151 : memref<128xi32, #tpu.memory_space<vmem>>) semaphore(%arg9 : memref<!tpu.dma_semaphore, #tpu.memory_space<semaphore_mem>>)
    %dma_wait3A_155 = arith.constant 2 : i32
    %dma_wait3A_156 = arith.constant 3 : i32
    %dma_wait3A_157 = arith.constant 0 : i32
    %dma_wait3A_158 = arith.constant 0 : i32
    %dma_wait3A_159 = tpu.memref_slice %arg8[%dma_wait3A_156, %dma_wait3A_157, %dma_wait3A_158] : memref<4x128x128xf32, #tpu.memory_space<vmem>> -> memref<1x128x128xf32, #tpu.memory_space<vmem>>
    %dma_wait3A_160 = tpu.memref_squeeze %dma_wait3A_159 : memref<1x128x128xf32, #tpu.memory_space<vmem>> -> memref<128x128xf32, #tpu.memory_space<vmem>>
    %dma_wait3A_161 = arith.constant 0 : i32
    %dma_wait3A_162 = tpu.memref_slice %arg7[%dma_wait3A_155, %dma_wait3A_161] : memref<7x128xi32, #tpu.memory_space<vmem>> -> memref<1x128xi32, #tpu.memory_space<vmem>>
    %dma_wait3A_163 = tpu.memref_squeeze %dma_wait3A_162 : memref<1x128xi32, #tpu.memory_space<vmem>> -> memref<128xi32, #tpu.memory_space<vmem>>
    %dma_wait3A_164 = arith.constant 0 : i32
    %dma_wait3A_165 = arith.constant 0 : i32
    %dma_wait3A_166 = tpu.memref_slice %arg4[%dma_wait3A_164, %dma_wait3A_165] : memref<100000x128xf32, #tpu.memory_space<hbm>> -> memref<100000x128xf32, #tpu.memory_space<hbm>>
    tpu.wait_indirect_dma semaphore(%arg12 : memref<!tpu.dma_semaphore, #tpu.memory_space<semaphore_mem>>) src(%dma_wait3A_166 : memref<100000x128xf32, #tpu.memory_space<hbm>>) dst(%dma_wait3A_160 : memref<128x128xf32, #tpu.memory_space<vmem>>)
    %add3A_167 = arith.constant 12288 : i32
    %add3A_168 = arith.addi %add3A_167, %mul3A_2 : i32
    %dma_start3A_169 = arith.constant 3 : i32
    %dma_start3A_170 = arith.constant 0 : i32
    %dma_start3A_171 = arith.constant 0 : i32
    %dma_start3A_172 = tpu.memref_slice %arg8[%dma_start3A_169, %dma_start3A_170, %dma_start3A_171] : memref<4x128x128xf32, #tpu.memory_space<vmem>> -> memref<1x128x128xf32, #tpu.memory_space<vmem>>
    %dma_start3A_173 = tpu.memref_squeeze %dma_start3A_172 : memref<1x128x128xf32, #tpu.memory_space<vmem>> -> memref<128x128xf32, #tpu.memory_space<vmem>>
    %dma_start3A_174 = arith.constant 0 : i32
    %dma_start3A_175 = tpu.memref_slice %arg6[%add3A_168, %dma_start3A_174] : memref<53248x128xf32, #tpu.memory_space<hbm>> -> memref<128x128xf32, #tpu.memory_space<hbm>>
    %dma_start3A_176 = arith.constant 0 : i32
    %dma_start3A_177 = tpu.memref_slice %arg6[%add3A_168, %dma_start3A_176] : memref<53248x128xf32, #tpu.memory_space<hbm>> -> memref<128x128xf32, #tpu.memory_space<hbm>>
    %dma_start3A_178 = arith.constant 0 : i32
    %dma_start3A_179 = arith.constant 0 : i32
    %dma_start3A_180 = tpu.memref_slice %arg8[%dma_start3A_169, %dma_start3A_178, %dma_start3A_179] : memref<4x128x128xf32, #tpu.memory_space<vmem>> -> memref<1x128x128xf32, #tpu.memory_space<vmem>>
    %dma_start3A_181 = tpu.memref_squeeze %dma_start3A_180 : memref<1x128x128xf32, #tpu.memory_space<vmem>> -> memref<128x128xf32, #tpu.memory_space<vmem>>
    tpu.enqueue_dma source(%dma_start3A_181 : memref<128x128xf32, #tpu.memory_space<vmem>>) target(%dma_start3A_177 : memref<128x128xf32, #tpu.memory_space<hbm>>) target_semaphore(%arg16 : memref<!tpu.dma_semaphore, #tpu.memory_space<semaphore_mem>>)
    %dma_wait3A_182 = arith.constant 1 : i32
    %dma_wait3A_183 = arith.constant 0 : i32
    %dma_wait3A_184 = arith.constant 0 : i32
    %dma_wait3A_185 = tpu.memref_slice %arg8[%dma_wait3A_182, %dma_wait3A_183, %dma_wait3A_184] : memref<4x128x128xf32, #tpu.memory_space<vmem>> -> memref<1x128x128xf32, #tpu.memory_space<vmem>>
    %dma_wait3A_186 = tpu.memref_squeeze %dma_wait3A_185 : memref<1x128x128xf32, #tpu.memory_space<vmem>> -> memref<128x128xf32, #tpu.memory_space<vmem>>
    %dma_wait3A_187 = arith.constant 0 : i32
    %dma_wait3A_188 = tpu.memref_slice %arg6[%add3A_89, %dma_wait3A_187] : memref<53248x128xf32, #tpu.memory_space<hbm>> -> memref<128x128xf32, #tpu.memory_space<hbm>>
    %dma_wait3A_189 = arith.constant 0 : i32
    %dma_wait3A_190 = tpu.memref_slice %arg6[%add3A_89, %dma_wait3A_189] : memref<53248x128xf32, #tpu.memory_space<hbm>> -> memref<128x128xf32, #tpu.memory_space<hbm>>
    %dma_wait3A_191 = arith.constant 0 : i32
    %dma_wait3A_192 = arith.constant 0 : i32
    %dma_wait3A_193 = tpu.memref_slice %arg8[%dma_wait3A_182, %dma_wait3A_191, %dma_wait3A_192] : memref<4x128x128xf32, #tpu.memory_space<vmem>> -> memref<1x128x128xf32, #tpu.memory_space<vmem>>
    %dma_wait3A_194 = tpu.memref_squeeze %dma_wait3A_193 : memref<1x128x128xf32, #tpu.memory_space<vmem>> -> memref<128x128xf32, #tpu.memory_space<vmem>>
    tpu.wait_dma2 semaphore(%arg14 : memref<!tpu.dma_semaphore, #tpu.memory_space<semaphore_mem>>) src(%dma_wait3A_194 : memref<128x128xf32, #tpu.memory_space<vmem>>) dst(%dma_wait3A_190 : memref<128x128xf32, #tpu.memory_space<hbm>>)
    %dma_start3A_195 = arith.constant 4 : i32
    %dma_start3A_196 = arith.constant 1 : i32
    %dma_start3A_197 = arith.constant 0 : i32
    %dma_start3A_198 = arith.constant 0 : i32
    %dma_start3A_199 = tpu.memref_slice %arg8[%dma_start3A_196, %dma_start3A_197, %dma_start3A_198] : memref<4x128x128xf32, #tpu.memory_space<vmem>> -> memref<1x128x128xf32, #tpu.memory_space<vmem>>
    %dma_start3A_200 = tpu.memref_squeeze %dma_start3A_199 : memref<1x128x128xf32, #tpu.memory_space<vmem>> -> memref<128x128xf32, #tpu.memory_space<vmem>>
    %dma_start3A_201 = arith.constant 0 : i32
    %dma_start3A_202 = tpu.memref_slice %arg7[%dma_start3A_195, %dma_start3A_201] : memref<7x128xi32, #tpu.memory_space<vmem>> -> memref<1x128xi32, #tpu.memory_space<vmem>>
    %dma_start3A_203 = tpu.memref_squeeze %dma_start3A_202 : memref<1x128xi32, #tpu.memory_space<vmem>> -> memref<128xi32, #tpu.memory_space<vmem>>
    %dma_start3A_204 = arith.constant 0 : i32
    %dma_start3A_205 = arith.constant 0 : i32
    %dma_start3A_206 = tpu.memref_slice %arg4[%dma_start3A_204, %dma_start3A_205] : memref<100000x128xf32, #tpu.memory_space<hbm>> -> memref<100000x128xf32, #tpu.memory_space<hbm>>
    tpu.enqueue_indirect_dma source(%dma_start3A_206 : memref<100000x128xf32, #tpu.memory_space<hbm>>) target(%dma_start3A_200 : memref<128x128xf32, #tpu.memory_space<vmem>>) offsets(%dma_start3A_203 : memref<128xi32, #tpu.memory_space<vmem>>) semaphore(%arg10 : memref<!tpu.dma_semaphore, #tpu.memory_space<semaphore_mem>>)
    %dma_wait3A_207 = arith.constant 3 : i32
    %dma_wait3A_208 = arith.constant 0 : i32
    %dma_wait3A_209 = arith.constant 0 : i32
    %dma_wait3A_210 = arith.constant 0 : i32
    %dma_wait3A_211 = tpu.memref_slice %arg8[%dma_wait3A_208, %dma_wait3A_209, %dma_wait3A_210] : memref<4x128x128xf32, #tpu.memory_space<vmem>> -> memref<1x128x128xf32, #tpu.memory_space<vmem>>
    %dma_wait3A_212 = tpu.memref_squeeze %dma_wait3A_211 : memref<1x128x128xf32, #tpu.memory_space<vmem>> -> memref<128x128xf32, #tpu.memory_space<vmem>>
    %dma_wait3A_213 = arith.constant 0 : i32
    %dma_wait3A_214 = tpu.memref_slice %arg7[%dma_wait3A_207, %dma_wait3A_213] : memref<7x128xi32, #tpu.memory_space<vmem>> -> memref<1x128xi32, #tpu.memory_space<vmem>>
    %dma_wait3A_215 = tpu.memref_squeeze %dma_wait3A_214 : memref<1x128xi32, #tpu.memory_space<vmem>> -> memref<128xi32, #tpu.memory_space<vmem>>
    %dma_wait3A_216 = arith.constant 0 : i32
    %dma_wait3A_217 = arith.constant 0 : i32
    %dma_wait3A_218 = tpu.memref_slice %arg4[%dma_wait3A_216, %dma_wait3A_217] : memref<100000x128xf32, #tpu.memory_space<hbm>> -> memref<100000x128xf32, #tpu.memory_space<hbm>>
    tpu.wait_indirect_dma semaphore(%arg9 : memref<!tpu.dma_semaphore, #tpu.memory_space<semaphore_mem>>) src(%dma_wait3A_218 : memref<100000x128xf32, #tpu.memory_space<hbm>>) dst(%dma_wait3A_212 : memref<128x128xf32, #tpu.memory_space<vmem>>)
    %add3A_219 = arith.constant 16384 : i32
    %add3A_220 = arith.addi %add3A_219, %mul3A_2 : i32
    %dma_start3A_221 = arith.constant 0 : i32
    %dma_start3A_222 = arith.constant 0 : i32
    %dma_start3A_223 = arith.constant 0 : i32
    %dma_start3A_224 = tpu.memref_slice %arg8[%dma_start3A_221, %dma_start3A_222, %dma_start3A_223] : memref<4x128x128xf32, #tpu.memory_space<vmem>> -> memref<1x128x128xf32, #tpu.memory_space<vmem>>
    %dma_start3A_225 = tpu.memref_squeeze %dma_start3A_224 : memref<1x128x128xf32, #tpu.memory_space<vmem>> -> memref<128x128xf32, #tpu.memory_space<vmem>>
    %dma_start3A_226 = arith.constant 0 : i32
    %dma_start3A_227 = tpu.memref_slice %arg6[%add3A_220, %dma_start3A_226] : memref<53248x128xf32, #tpu.memory_space<hbm>> -> memref<128x128xf32, #tpu.memory_space<hbm>>
    %dma_start3A_228 = arith.constant 0 : i32
    %dma_start3A_229 = tpu.memref_slice %arg6[%add3A_220, %dma_start3A_228] : memref<53248x128xf32, #tpu.memory_space<hbm>> -> memref<128x128xf32, #tpu.memory_space<hbm>>
    %dma_start3A_230 = arith.constant 0 : i32
    %dma_start3A_231 = arith.constant 0 : i32
    %dma_start3A_232 = tpu.memref_slice %arg8[%dma_start3A_221, %dma_start3A_230, %dma_start3A_231] : memref<4x128x128xf32, #tpu.memory_space<vmem>> -> memref<1x128x128xf32, #tpu.memory_space<vmem>>
    %dma_start3A_233 = tpu.memref_squeeze %dma_start3A_232 : memref<1x128x128xf32, #tpu.memory_space<vmem>> -> memref<128x128xf32, #tpu.memory_space<vmem>>
    tpu.enqueue_dma source(%dma_start3A_233 : memref<128x128xf32, #tpu.memory_space<vmem>>) target(%dma_start3A_229 : memref<128x128xf32, #tpu.memory_space<hbm>>) target_semaphore(%arg13 : memref<!tpu.dma_semaphore, #tpu.memory_space<semaphore_mem>>)
    %dma_wait3A_234 = arith.constant 2 : i32
    %dma_wait3A_235 = arith.constant 0 : i32
    %dma_wait3A_236 = arith.constant 0 : i32
    %dma_wait3A_237 = tpu.memref_slice %arg8[%dma_wait3A_234, %dma_wait3A_235, %dma_wait3A_236] : memref<4x128x128xf32, #tpu.memory_space<vmem>> -> memref<1x128x128xf32, #tpu.memory_space<vmem>>
    %dma_wait3A_238 = tpu.memref_squeeze %dma_wait3A_237 : memref<1x128x128xf32, #tpu.memory_space<vmem>> -> memref<128x128xf32, #tpu.memory_space<vmem>>
    %dma_wait3A_239 = arith.constant 0 : i32
    %dma_wait3A_240 = tpu.memref_slice %arg6[%add3A_116, %dma_wait3A_239] : memref<53248x128xf32, #tpu.memory_space<hbm>> -> memref<128x128xf32, #tpu.memory_space<hbm>>
    %dma_wait3A_241 = arith.constant 0 : i32
    %dma_wait3A_242 = tpu.memref_slice %arg6[%add3A_116, %dma_wait3A_241] : memref<53248x128xf32, #tpu.memory_space<hbm>> -> memref<128x128xf32, #tpu.memory_space<hbm>>
    %dma_wait3A_243 = arith.constant 0 : i32
    %dma_wait3A_244 = arith.constant 0 : i32
    %dma_wait3A_245 = tpu.memref_slice %arg8[%dma_wait3A_234, %dma_wait3A_243, %dma_wait3A_244] : memref<4x128x128xf32, #tpu.memory_space<vmem>> -> memref<1x128x128xf32, #tpu.memory_space<vmem>>
    %dma_wait3A_246 = tpu.memref_squeeze %dma_wait3A_245 : memref<1x128x128xf32, #tpu.memory_space<vmem>> -> memref<128x128xf32, #tpu.memory_space<vmem>>
    tpu.wait_dma2 semaphore(%arg15 : memref<!tpu.dma_semaphore, #tpu.memory_space<semaphore_mem>>) src(%dma_wait3A_246 : memref<128x128xf32, #tpu.memory_space<vmem>>) dst(%dma_wait3A_242 : memref<128x128xf32, #tpu.memory_space<hbm>>)
    %dma_start3A_247 = arith.constant 5 : i32
    %dma_start3A_248 = arith.constant 2 : i32
    %dma_start3A_249 = arith.constant 0 : i32
    %dma_start3A_250 = arith.constant 0 : i32
    %dma_start3A_251 = tpu.memref_slice %arg8[%dma_start3A_248, %dma_start3A_249, %dma_start3A_250] : memref<4x128x128xf32, #tpu.memory_space<vmem>> -> memref<1x128x128xf32, #tpu.memory_space<vmem>>
    %dma_start3A_252 = tpu.memref_squeeze %dma_start3A_251 : memref<1x128x128xf32, #tpu.memory_space<vmem>> -> memref<128x128xf32, #tpu.memory_space<vmem>>
    %dma_start3A_253 = arith.constant 0 : i32
    %dma_start3A_254 = tpu.memref_slice %arg7[%dma_start3A_247, %dma_start3A_253] : memref<7x128xi32, #tpu.memory_space<vmem>> -> memref<1x128xi32, #tpu.memory_space<vmem>>
    %dma_start3A_255 = tpu.memref_squeeze %dma_start3A_254 : memref<1x128xi32, #tpu.memory_space<vmem>> -> memref<128xi32, #tpu.memory_space<vmem>>
    %dma_start3A_256 = arith.constant 0 : i32
    %dma_start3A_257 = arith.constant 0 : i32
    %dma_start3A_258 = tpu.memref_slice %arg4[%dma_start3A_256, %dma_start3A_257] : memref<100000x128xf32, #tpu.memory_space<hbm>> -> memref<100000x128xf32, #tpu.memory_space<hbm>>
    tpu.enqueue_indirect_dma source(%dma_start3A_258 : memref<100000x128xf32, #tpu.memory_space<hbm>>) target(%dma_start3A_252 : memref<128x128xf32, #tpu.memory_space<vmem>>) offsets(%dma_start3A_255 : memref<128xi32, #tpu.memory_space<vmem>>) semaphore(%arg11 : memref<!tpu.dma_semaphore, #tpu.memory_space<semaphore_mem>>)
    %dma_wait3A_259 = arith.constant 4 : i32
    %dma_wait3A_260 = arith.constant 1 : i32
    %dma_wait3A_261 = arith.constant 0 : i32
    %dma_wait3A_262 = arith.constant 0 : i32
    %dma_wait3A_263 = tpu.memref_slice %arg8[%dma_wait3A_260, %dma_wait3A_261, %dma_wait3A_262] : memref<4x128x128xf32, #tpu.memory_space<vmem>> -> memref<1x128x128xf32, #tpu.memory_space<vmem>>
    %dma_wait3A_264 = tpu.memref_squeeze %dma_wait3A_263 : memref<1x128x128xf32, #tpu.memory_space<vmem>> -> memref<128x128xf32, #tpu.memory_space<vmem>>
    %dma_wait3A_265 = arith.constant 0 : i32
    %dma_wait3A_266 = tpu.memref_slice %arg7[%dma_wait3A_259, %dma_wait3A_265] : memref<7x128xi32, #tpu.memory_space<vmem>> -> memref<1x128xi32, #tpu.memory_space<vmem>>
    %dma_wait3A_267 = tpu.memref_squeeze %dma_wait3A_266 : memref<1x128xi32, #tpu.memory_space<vmem>> -> memref<128xi32, #tpu.memory_space<vmem>>
    %dma_wait3A_268 = arith.constant 0 : i32
    %dma_wait3A_269 = arith.constant 0 : i32
    %dma_wait3A_270 = tpu.memref_slice %arg4[%dma_wait3A_268, %dma_wait3A_269] : memref<100000x128xf32, #tpu.memory_space<hbm>> -> memref<100000x128xf32, #tpu.memory_space<hbm>>
    tpu.wait_indirect_dma semaphore(%arg10 : memref<!tpu.dma_semaphore, #tpu.memory_space<semaphore_mem>>) src(%dma_wait3A_270 : memref<100000x128xf32, #tpu.memory_space<hbm>>) dst(%dma_wait3A_264 : memref<128x128xf32, #tpu.memory_space<vmem>>)
    %add3A_271 = arith.constant 20480 : i32
    %add3A_272 = arith.addi %add3A_271, %mul3A_2 : i32
    %dma_start3A_273 = arith.constant 1 : i32
    %dma_start3A_274 = arith.constant 0 : i32
    %dma_start3A_275 = arith.constant 0 : i32
    %dma_start3A_276 = tpu.memref_slice %arg8[%dma_start3A_273, %dma_start3A_274, %dma_start3A_275] : memref<4x128x128xf32, #tpu.memory_space<vmem>> -> memref<1x128x128xf32, #tpu.memory_space<vmem>>
    %dma_start3A_277 = tpu.memref_squeeze %dma_start3A_276 : memref<1x128x128xf32, #tpu.memory_space<vmem>> -> memref<128x128xf32, #tpu.memory_space<vmem>>
    %dma_start3A_278 = arith.constant 0 : i32
    %dma_start3A_279 = tpu.memref_slice %arg6[%add3A_272, %dma_start3A_278] : memref<53248x128xf32, #tpu.memory_space<hbm>> -> memref<128x128xf32, #tpu.memory_space<hbm>>
    %dma_start3A_280 = arith.constant 0 : i32
    %dma_start3A_281 = tpu.memref_slice %arg6[%add3A_272, %dma_start3A_280] : memref<53248x128xf32, #tpu.memory_space<hbm>> -> memref<128x128xf32, #tpu.memory_space<hbm>>
    %dma_start3A_282 = arith.constant 0 : i32
    %dma_start3A_283 = arith.constant 0 : i32
    %dma_start3A_284 = tpu.memref_slice %arg8[%dma_start3A_273, %dma_start3A_282, %dma_start3A_283] : memref<4x128x128xf32, #tpu.memory_space<vmem>> -> memref<1x128x128xf32, #tpu.memory_space<vmem>>
    %dma_start3A_285 = tpu.memref_squeeze %dma_start3A_284 : memref<1x128x128xf32, #tpu.memory_space<vmem>> -> memref<128x128xf32, #tpu.memory_space<vmem>>
    tpu.enqueue_dma source(%dma_start3A_285 : memref<128x128xf32, #tpu.memory_space<vmem>>) target(%dma_start3A_281 : memref<128x128xf32, #tpu.memory_space<hbm>>) target_semaphore(%arg14 : memref<!tpu.dma_semaphore, #tpu.memory_space<semaphore_mem>>)
    %dma_wait3A_286 = arith.constant 3 : i32
    %dma_wait3A_287 = arith.constant 0 : i32
    %dma_wait3A_288 = arith.constant 0 : i32
    %dma_wait3A_289 = tpu.memref_slice %arg8[%dma_wait3A_286, %dma_wait3A_287, %dma_wait3A_288] : memref<4x128x128xf32, #tpu.memory_space<vmem>> -> memref<1x128x128xf32, #tpu.memory_space<vmem>>
    %dma_wait3A_290 = tpu.memref_squeeze %dma_wait3A_289 : memref<1x128x128xf32, #tpu.memory_space<vmem>> -> memref<128x128xf32, #tpu.memory_space<vmem>>
    %dma_wait3A_291 = arith.constant 0 : i32
    %dma_wait3A_292 = tpu.memref_slice %arg6[%add3A_168, %dma_wait3A_291] : memref<53248x128xf32, #tpu.memory_space<hbm>> -> memref<128x128xf32, #tpu.memory_space<hbm>>
    %dma_wait3A_293 = arith.constant 0 : i32
    %dma_wait3A_294 = tpu.memref_slice %arg6[%add3A_168, %dma_wait3A_293] : memref<53248x128xf32, #tpu.memory_space<hbm>> -> memref<128x128xf32, #tpu.memory_space<hbm>>
    %dma_wait3A_295 = arith.constant 0 : i32
    %dma_wait3A_296 = arith.constant 0 : i32
    %dma_wait3A_297 = tpu.memref_slice %arg8[%dma_wait3A_286, %dma_wait3A_295, %dma_wait3A_296] : memref<4x128x128xf32, #tpu.memory_space<vmem>> -> memref<1x128x128xf32, #tpu.memory_space<vmem>>
    %dma_wait3A_298 = tpu.memref_squeeze %dma_wait3A_297 : memref<1x128x128xf32, #tpu.memory_space<vmem>> -> memref<128x128xf32, #tpu.memory_space<vmem>>
    tpu.wait_dma2 semaphore(%arg16 : memref<!tpu.dma_semaphore, #tpu.memory_space<semaphore_mem>>) src(%dma_wait3A_298 : memref<128x128xf32, #tpu.memory_space<vmem>>) dst(%dma_wait3A_294 : memref<128x128xf32, #tpu.memory_space<hbm>>)
    %dma_start3A_299 = arith.constant 6 : i32
    %dma_start3A_300 = arith.constant 3 : i32
    %dma_start3A_301 = arith.constant 0 : i32
    %dma_start3A_302 = arith.constant 0 : i32
    %dma_start3A_303 = tpu.memref_slice %arg8[%dma_start3A_300, %dma_start3A_301, %dma_start3A_302] : memref<4x128x128xf32, #tpu.memory_space<vmem>> -> memref<1x128x128xf32, #tpu.memory_space<vmem>>
    %dma_start3A_304 = tpu.memref_squeeze %dma_start3A_303 : memref<1x128x128xf32, #tpu.memory_space<vmem>> -> memref<128x128xf32, #tpu.memory_space<vmem>>
    %dma_start3A_305 = arith.constant 0 : i32
    %dma_start3A_306 = tpu.memref_slice %arg7[%dma_start3A_299, %dma_start3A_305] : memref<7x128xi32, #tpu.memory_space<vmem>> -> memref<1x128xi32, #tpu.memory_space<vmem>>
    %dma_start3A_307 = tpu.memref_squeeze %dma_start3A_306 : memref<1x128xi32, #tpu.memory_space<vmem>> -> memref<128xi32, #tpu.memory_space<vmem>>
    %dma_start3A_308 = arith.constant 0 : i32
    %dma_start3A_309 = arith.constant 0 : i32
    %dma_start3A_310 = tpu.memref_slice %arg4[%dma_start3A_308, %dma_start3A_309] : memref<100000x128xf32, #tpu.memory_space<hbm>> -> memref<100000x128xf32, #tpu.memory_space<hbm>>
    tpu.enqueue_indirect_dma source(%dma_start3A_310 : memref<100000x128xf32, #tpu.memory_space<hbm>>) target(%dma_start3A_304 : memref<128x128xf32, #tpu.memory_space<vmem>>) offsets(%dma_start3A_307 : memref<128xi32, #tpu.memory_space<vmem>>) semaphore(%arg12 : memref<!tpu.dma_semaphore, #tpu.memory_space<semaphore_mem>>)
    %dma_wait3A_311 = arith.constant 5 : i32
    %dma_wait3A_312 = arith.constant 2 : i32
    %dma_wait3A_313 = arith.constant 0 : i32
    %dma_wait3A_314 = arith.constant 0 : i32
    %dma_wait3A_315 = tpu.memref_slice %arg8[%dma_wait3A_312, %dma_wait3A_313, %dma_wait3A_314] : memref<4x128x128xf32, #tpu.memory_space<vmem>> -> memref<1x128x128xf32, #tpu.memory_space<vmem>>
    %dma_wait3A_316 = tpu.memref_squeeze %dma_wait3A_315 : memref<1x128x128xf32, #tpu.memory_space<vmem>> -> memref<128x128xf32, #tpu.memory_space<vmem>>
    %dma_wait3A_317 = arith.constant 0 : i32
    %dma_wait3A_318 = tpu.memref_slice %arg7[%dma_wait3A_311, %dma_wait3A_317] : memref<7x128xi32, #tpu.memory_space<vmem>> -> memref<1x128xi32, #tpu.memory_space<vmem>>
    %dma_wait3A_319 = tpu.memref_squeeze %dma_wait3A_318 : memref<1x128xi32, #tpu.memory_space<vmem>> -> memref<128xi32, #tpu.memory_space<vmem>>
    %dma_wait3A_320 = arith.constant 0 : i32
    %dma_wait3A_321 = arith.constant 0 : i32
    %dma_wait3A_322 = tpu.memref_slice %arg4[%dma_wait3A_320, %dma_wait3A_321] : memref<100000x128xf32, #tpu.memory_space<hbm>> -> memref<100000x128xf32, #tpu.memory_space<hbm>>
    tpu.wait_indirect_dma semaphore(%arg11 : memref<!tpu.dma_semaphore, #tpu.memory_space<semaphore_mem>>) src(%dma_wait3A_322 : memref<100000x128xf32, #tpu.memory_space<hbm>>) dst(%dma_wait3A_316 : memref<128x128xf32, #tpu.memory_space<vmem>>)
    %add3A_323 = arith.constant 24576 : i32
    %add3A_324 = arith.addi %add3A_323, %mul3A_2 : i32
    %dma_start3A_325 = arith.constant 2 : i32
    %dma_start3A_326 = arith.constant 0 : i32
    %dma_start3A_327 = arith.constant 0 : i32
    %dma_start3A_328 = tpu.memref_slice %arg8[%dma_start3A_325, %dma_start3A_326, %dma_start3A_327] : memref<4x128x128xf32, #tpu.memory_space<vmem>> -> memref<1x128x128xf32, #tpu.memory_space<vmem>>
    %dma_start3A_329 = tpu.memref_squeeze %dma_start3A_328 : memref<1x128x128xf32, #tpu.memory_space<vmem>> -> memref<128x128xf32, #tpu.memory_space<vmem>>
    %dma_start3A_330 = arith.constant 0 : i32
    %dma_start3A_331 = tpu.memref_slice %arg6[%add3A_324, %dma_start3A_330] : memref<53248x128xf32, #tpu.memory_space<hbm>> -> memref<128x128xf32, #tpu.memory_space<hbm>>
    %dma_start3A_332 = arith.constant 0 : i32
    %dma_start3A_333 = tpu.memref_slice %arg6[%add3A_324, %dma_start3A_332] : memref<53248x128xf32, #tpu.memory_space<hbm>> -> memref<128x128xf32, #tpu.memory_space<hbm>>
    %dma_start3A_334 = arith.constant 0 : i32
    %dma_start3A_335 = arith.constant 0 : i32
    %dma_start3A_336 = tpu.memref_slice %arg8[%dma_start3A_325, %dma_start3A_334, %dma_start3A_335] : memref<4x128x128xf32, #tpu.memory_space<vmem>> -> memref<1x128x128xf32, #tpu.memory_space<vmem>>
    %dma_start3A_337 = tpu.memref_squeeze %dma_start3A_336 : memref<1x128x128xf32, #tpu.memory_space<vmem>> -> memref<128x128xf32, #tpu.memory_space<vmem>>
    tpu.enqueue_dma source(%dma_start3A_337 : memref<128x128xf32, #tpu.memory_space<vmem>>) target(%dma_start3A_333 : memref<128x128xf32, #tpu.memory_space<hbm>>) target_semaphore(%arg15 : memref<!tpu.dma_semaphore, #tpu.memory_space<semaphore_mem>>)
    %dma_wait3A_338 = arith.constant 0 : i32
    %dma_wait3A_339 = arith.constant 0 : i32
    %dma_wait3A_340 = arith.constant 0 : i32
    %dma_wait3A_341 = tpu.memref_slice %arg8[%dma_wait3A_338, %dma_wait3A_339, %dma_wait3A_340] : memref<4x128x128xf32, #tpu.memory_space<vmem>> -> memref<1x128x128xf32, #tpu.memory_space<vmem>>
    %dma_wait3A_342 = tpu.memref_squeeze %dma_wait3A_341 : memref<1x128x128xf32, #tpu.memory_space<vmem>> -> memref<128x128xf32, #tpu.memory_space<vmem>>
    %dma_wait3A_343 = arith.constant 0 : i32
    %dma_wait3A_344 = tpu.memref_slice %arg6[%add3A_220, %dma_wait3A_343] : memref<53248x128xf32, #tpu.memory_space<hbm>> -> memref<128x128xf32, #tpu.memory_space<hbm>>
    %dma_wait3A_345 = arith.constant 0 : i32
    %dma_wait3A_346 = tpu.memref_slice %arg6[%add3A_220, %dma_wait3A_345] : memref<53248x128xf32, #tpu.memory_space<hbm>> -> memref<128x128xf32, #tpu.memory_space<hbm>>
    %dma_wait3A_347 = arith.constant 0 : i32
    %dma_wait3A_348 = arith.constant 0 : i32
    %dma_wait3A_349 = tpu.memref_slice %arg8[%dma_wait3A_338, %dma_wait3A_347, %dma_wait3A_348] : memref<4x128x128xf32, #tpu.memory_space<vmem>> -> memref<1x128x128xf32, #tpu.memory_space<vmem>>
    %dma_wait3A_350 = tpu.memref_squeeze %dma_wait3A_349 : memref<1x128x128xf32, #tpu.memory_space<vmem>> -> memref<128x128xf32, #tpu.memory_space<vmem>>
    tpu.wait_dma2 semaphore(%arg13 : memref<!tpu.dma_semaphore, #tpu.memory_space<semaphore_mem>>) src(%dma_wait3A_350 : memref<128x128xf32, #tpu.memory_space<vmem>>) dst(%dma_wait3A_346 : memref<128x128xf32, #tpu.memory_space<hbm>>)
    %dma_start3A_351 = arith.constant 2 : i32
    %dma_start3A_352 = arith.constant 0 : i32
    %dma_start3A_353 = arith.constant 0 : i32
    %dma_start3A_354 = arith.constant 0 : i32
    %dma_start3A_355 = tpu.memref_slice %arg8[%dma_start3A_352, %dma_start3A_353, %dma_start3A_354] : memref<4x128x128xf32, #tpu.memory_space<vmem>> -> memref<1x128x128xf32, #tpu.memory_space<vmem>>
    %dma_start3A_356 = tpu.memref_squeeze %dma_start3A_355 : memref<1x128x128xf32, #tpu.memory_space<vmem>> -> memref<128x128xf32, #tpu.memory_space<vmem>>
    %dma_start3A_357 = arith.constant 0 : i32
    %dma_start3A_358 = tpu.memref_slice %arg7[%dma_start3A_351, %dma_start3A_357] : memref<7x128xi32, #tpu.memory_space<vmem>> -> memref<1x128xi32, #tpu.memory_space<vmem>>
    %dma_start3A_359 = tpu.memref_squeeze %dma_start3A_358 : memref<1x128xi32, #tpu.memory_space<vmem>> -> memref<128xi32, #tpu.memory_space<vmem>>
    %dma_start3A_360 = arith.constant 0 : i32
    %dma_start3A_361 = arith.constant 0 : i32
    %dma_start3A_362 = tpu.memref_slice %arg5[%dma_start3A_360, %dma_start3A_361] : memref<100000x128xf32, #tpu.memory_space<hbm>> -> memref<100000x128xf32, #tpu.memory_space<hbm>>
    tpu.enqueue_indirect_dma source(%dma_start3A_362 : memref<100000x128xf32, #tpu.memory_space<hbm>>) target(%dma_start3A_356 : memref<128x128xf32, #tpu.memory_space<vmem>>) offsets(%dma_start3A_359 : memref<128xi32, #tpu.memory_space<vmem>>) semaphore(%arg9 : memref<!tpu.dma_semaphore, #tpu.memory_space<semaphore_mem>>)
    %dma_wait3A_363 = arith.constant 6 : i32
    %dma_wait3A_364 = arith.constant 3 : i32
    %dma_wait3A_365 = arith.constant 0 : i32
    %dma_wait3A_366 = arith.constant 0 : i32
    %dma_wait3A_367 = tpu.memref_slice %arg8[%dma_wait3A_364, %dma_wait3A_365, %dma_wait3A_366] : memref<4x128x128xf32, #tpu.memory_space<vmem>> -> memref<1x128x128xf32, #tpu.memory_space<vmem>>
    %dma_wait3A_368 = tpu.memref_squeeze %dma_wait3A_367 : memref<1x128x128xf32, #tpu.memory_space<vmem>> -> memref<128x128xf32, #tpu.memory_space<vmem>>
    %dma_wait3A_369 = arith.constant 0 : i32
    %dma_wait3A_370 = tpu.memref_slice %arg7[%dma_wait3A_363, %dma_wait3A_369] : memref<7x128xi32, #tpu.memory_space<vmem>> -> memref<1x128xi32, #tpu.memory_space<vmem>>
    %dma_wait3A_371 = tpu.memref_squeeze %dma_wait3A_370 : memref<1x128xi32, #tpu.memory_space<vmem>> -> memref<128xi32, #tpu.memory_space<vmem>>
    %dma_wait3A_372 = arith.constant 0 : i32
    %dma_wait3A_373 = arith.constant 0 : i32
    %dma_wait3A_374 = tpu.memref_slice %arg4[%dma_wait3A_372, %dma_wait3A_373] : memref<100000x128xf32, #tpu.memory_space<hbm>> -> memref<100000x128xf32, #tpu.memory_space<hbm>>
    tpu.wait_indirect_dma semaphore(%arg12 : memref<!tpu.dma_semaphore, #tpu.memory_space<semaphore_mem>>) src(%dma_wait3A_374 : memref<100000x128xf32, #tpu.memory_space<hbm>>) dst(%dma_wait3A_368 : memref<128x128xf32, #tpu.memory_space<vmem>>)
    %add3A_375 = arith.constant 28672 : i32
    %add3A_376 = arith.addi %add3A_375, %mul3A_2 : i32
    %dma_start3A_377 = arith.constant 3 : i32
    %dma_start3A_378 = arith.constant 0 : i32
    %dma_start3A_379 = arith.constant 0 : i32
    %dma_start3A_380 = tpu.memref_slice %arg8[%dma_start3A_377, %dma_start3A_378, %dma_start3A_379] : memref<4x128x128xf32, #tpu.memory_space<vmem>> -> memref<1x128x128xf32, #tpu.memory_space<vmem>>
    %dma_start3A_381 = tpu.memref_squeeze %dma_start3A_380 : memref<1x128x128xf32, #tpu.memory_space<vmem>> -> memref<128x128xf32, #tpu.memory_space<vmem>>
    %dma_start3A_382 = arith.constant 0 : i32
    %dma_start3A_383 = tpu.memref_slice %arg6[%add3A_376, %dma_start3A_382] : memref<53248x128xf32, #tpu.memory_space<hbm>> -> memref<128x128xf32, #tpu.memory_space<hbm>>
    %dma_start3A_384 = arith.constant 0 : i32
    %dma_start3A_385 = tpu.memref_slice %arg6[%add3A_376, %dma_start3A_384] : memref<53248x128xf32, #tpu.memory_space<hbm>> -> memref<128x128xf32, #tpu.memory_space<hbm>>
    %dma_start3A_386 = arith.constant 0 : i32
    %dma_start3A_387 = arith.constant 0 : i32
    %dma_start3A_388 = tpu.memref_slice %arg8[%dma_start3A_377, %dma_start3A_386, %dma_start3A_387] : memref<4x128x128xf32, #tpu.memory_space<vmem>> -> memref<1x128x128xf32, #tpu.memory_space<vmem>>
    %dma_start3A_389 = tpu.memref_squeeze %dma_start3A_388 : memref<1x128x128xf32, #tpu.memory_space<vmem>> -> memref<128x128xf32, #tpu.memory_space<vmem>>
    tpu.enqueue_dma source(%dma_start3A_389 : memref<128x128xf32, #tpu.memory_space<vmem>>) target(%dma_start3A_385 : memref<128x128xf32, #tpu.memory_space<hbm>>) target_semaphore(%arg16 : memref<!tpu.dma_semaphore, #tpu.memory_space<semaphore_mem>>)
    %dma_wait3A_390 = arith.constant 1 : i32
    %dma_wait3A_391 = arith.constant 0 : i32
    %dma_wait3A_392 = arith.constant 0 : i32
    %dma_wait3A_393 = tpu.memref_slice %arg8[%dma_wait3A_390, %dma_wait3A_391, %dma_wait3A_392] : memref<4x128x128xf32, #tpu.memory_space<vmem>> -> memref<1x128x128xf32, #tpu.memory_space<vmem>>
    %dma_wait3A_394 = tpu.memref_squeeze %dma_wait3A_393 : memref<1x128x128xf32, #tpu.memory_space<vmem>> -> memref<128x128xf32, #tpu.memory_space<vmem>>
    %dma_wait3A_395 = arith.constant 0 : i32
    %dma_wait3A_396 = tpu.memref_slice %arg6[%add3A_272, %dma_wait3A_395] : memref<53248x128xf32, #tpu.memory_space<hbm>> -> memref<128x128xf32, #tpu.memory_space<hbm>>
    %dma_wait3A_397 = arith.constant 0 : i32
    %dma_wait3A_398 = tpu.memref_slice %arg6[%add3A_272, %dma_wait3A_397] : memref<53248x128xf32, #tpu.memory_space<hbm>> -> memref<128x128xf32, #tpu.memory_space<hbm>>
    %dma_wait3A_399 = arith.constant 0 : i32
    %dma_wait3A_400 = arith.constant 0 : i32
    %dma_wait3A_401 = tpu.memref_slice %arg8[%dma_wait3A_390, %dma_wait3A_399, %dma_wait3A_400] : memref<4x128x128xf32, #tpu.memory_space<vmem>> -> memref<1x128x128xf32, #tpu.memory_space<vmem>>
    %dma_wait3A_402 = tpu.memref_squeeze %dma_wait3A_401 : memref<1x128x128xf32, #tpu.memory_space<vmem>> -> memref<128x128xf32, #tpu.memory_space<vmem>>
    tpu.wait_dma2 semaphore(%arg14 : memref<!tpu.dma_semaphore, #tpu.memory_space<semaphore_mem>>) src(%dma_wait3A_402 : memref<128x128xf32, #tpu.memory_space<vmem>>) dst(%dma_wait3A_398 : memref<128x128xf32, #tpu.memory_space<hbm>>)
    %dma_start3A_403 = arith.constant 3 : i32
    %dma_start3A_404 = arith.constant 1 : i32
    %dma_start3A_405 = arith.constant 0 : i32
    %dma_start3A_406 = arith.constant 0 : i32
    %dma_start3A_407 = tpu.memref_slice %arg8[%dma_start3A_404, %dma_start3A_405, %dma_start3A_406] : memref<4x128x128xf32, #tpu.memory_space<vmem>> -> memref<1x128x128xf32, #tpu.memory_space<vmem>>
    %dma_start3A_408 = tpu.memref_squeeze %dma_start3A_407 : memref<1x128x128xf32, #tpu.memory_space<vmem>> -> memref<128x128xf32, #tpu.memory_space<vmem>>
    %dma_start3A_409 = arith.constant 0 : i32
    %dma_start3A_410 = tpu.memref_slice %arg7[%dma_start3A_403, %dma_start3A_409] : memref<7x128xi32, #tpu.memory_space<vmem>> -> memref<1x128xi32, #tpu.memory_space<vmem>>
    %dma_start3A_411 = tpu.memref_squeeze %dma_start3A_410 : memref<1x128xi32, #tpu.memory_space<vmem>> -> memref<128xi32, #tpu.memory_space<vmem>>
    %dma_start3A_412 = arith.constant 0 : i32
    %dma_start3A_413 = arith.constant 0 : i32
    %dma_start3A_414 = tpu.memref_slice %arg5[%dma_start3A_412, %dma_start3A_413] : memref<100000x128xf32, #tpu.memory_space<hbm>> -> memref<100000x128xf32, #tpu.memory_space<hbm>>
    tpu.enqueue_indirect_dma source(%dma_start3A_414 : memref<100000x128xf32, #tpu.memory_space<hbm>>) target(%dma_start3A_408 : memref<128x128xf32, #tpu.memory_space<vmem>>) offsets(%dma_start3A_411 : memref<128xi32, #tpu.memory_space<vmem>>) semaphore(%arg10 : memref<!tpu.dma_semaphore, #tpu.memory_space<semaphore_mem>>)
    %dma_wait3A_415 = arith.constant 2 : i32
    %dma_wait3A_416 = arith.constant 0 : i32
    %dma_wait3A_417 = arith.constant 0 : i32
    %dma_wait3A_418 = arith.constant 0 : i32
    %dma_wait3A_419 = tpu.memref_slice %arg8[%dma_wait3A_416, %dma_wait3A_417, %dma_wait3A_418] : memref<4x128x128xf32, #tpu.memory_space<vmem>> -> memref<1x128x128xf32, #tpu.memory_space<vmem>>
    %dma_wait3A_420 = tpu.memref_squeeze %dma_wait3A_419 : memref<1x128x128xf32, #tpu.memory_space<vmem>> -> memref<128x128xf32, #tpu.memory_space<vmem>>
    %dma_wait3A_421 = arith.constant 0 : i32
    %dma_wait3A_422 = tpu.memref_slice %arg7[%dma_wait3A_415, %dma_wait3A_421] : memref<7x128xi32, #tpu.memory_space<vmem>> -> memref<1x128xi32, #tpu.memory_space<vmem>>
    %dma_wait3A_423 = tpu.memref_squeeze %dma_wait3A_422 : memref<1x128xi32, #tpu.memory_space<vmem>> -> memref<128xi32, #tpu.memory_space<vmem>>
    %dma_wait3A_424 = arith.constant 0 : i32
    %dma_wait3A_425 = arith.constant 0 : i32
    %dma_wait3A_426 = tpu.memref_slice %arg5[%dma_wait3A_424, %dma_wait3A_425] : memref<100000x128xf32, #tpu.memory_space<hbm>> -> memref<100000x128xf32, #tpu.memory_space<hbm>>
    tpu.wait_indirect_dma semaphore(%arg9 : memref<!tpu.dma_semaphore, #tpu.memory_space<semaphore_mem>>) src(%dma_wait3A_426 : memref<100000x128xf32, #tpu.memory_space<hbm>>) dst(%dma_wait3A_420 : memref<128x128xf32, #tpu.memory_space<vmem>>)
    %add3A_427 = arith.constant 32768 : i32
    %add3A_428 = arith.addi %add3A_427, %mul3A_2 : i32
    %dma_start3A_429 = arith.constant 0 : i32
    %dma_start3A_430 = arith.constant 0 : i32
    %dma_start3A_431 = arith.constant 0 : i32
    %dma_start3A_432 = tpu.memref_slice %arg8[%dma_start3A_429, %dma_start3A_430, %dma_start3A_431] : memref<4x128x128xf32, #tpu.memory_space<vmem>> -> memref<1x128x128xf32, #tpu.memory_space<vmem>>
    %dma_start3A_433 = tpu.memref_squeeze %dma_start3A_432 : memref<1x128x128xf32, #tpu.memory_space<vmem>> -> memref<128x128xf32, #tpu.memory_space<vmem>>
    %dma_start3A_434 = arith.constant 0 : i32
    %dma_start3A_435 = tpu.memref_slice %arg6[%add3A_428, %dma_start3A_434] : memref<53248x128xf32, #tpu.memory_space<hbm>> -> memref<128x128xf32, #tpu.memory_space<hbm>>
    %dma_start3A_436 = arith.constant 0 : i32
    %dma_start3A_437 = tpu.memref_slice %arg6[%add3A_428, %dma_start3A_436] : memref<53248x128xf32, #tpu.memory_space<hbm>> -> memref<128x128xf32, #tpu.memory_space<hbm>>
    %dma_start3A_438 = arith.constant 0 : i32
    %dma_start3A_439 = arith.constant 0 : i32
    %dma_start3A_440 = tpu.memref_slice %arg8[%dma_start3A_429, %dma_start3A_438, %dma_start3A_439] : memref<4x128x128xf32, #tpu.memory_space<vmem>> -> memref<1x128x128xf32, #tpu.memory_space<vmem>>
    %dma_start3A_441 = tpu.memref_squeeze %dma_start3A_440 : memref<1x128x128xf32, #tpu.memory_space<vmem>> -> memref<128x128xf32, #tpu.memory_space<vmem>>
    tpu.enqueue_dma source(%dma_start3A_441 : memref<128x128xf32, #tpu.memory_space<vmem>>) target(%dma_start3A_437 : memref<128x128xf32, #tpu.memory_space<hbm>>) target_semaphore(%arg13 : memref<!tpu.dma_semaphore, #tpu.memory_space<semaphore_mem>>)
    %dma_wait3A_442 = arith.constant 2 : i32
    %dma_wait3A_443 = arith.constant 0 : i32
    %dma_wait3A_444 = arith.constant 0 : i32
    %dma_wait3A_445 = tpu.memref_slice %arg8[%dma_wait3A_442, %dma_wait3A_443, %dma_wait3A_444] : memref<4x128x128xf32, #tpu.memory_space<vmem>> -> memref<1x128x128xf32, #tpu.memory_space<vmem>>
    %dma_wait3A_446 = tpu.memref_squeeze %dma_wait3A_445 : memref<1x128x128xf32, #tpu.memory_space<vmem>> -> memref<128x128xf32, #tpu.memory_space<vmem>>
    %dma_wait3A_447 = arith.constant 0 : i32
    %dma_wait3A_448 = tpu.memref_slice %arg6[%add3A_324, %dma_wait3A_447] : memref<53248x128xf32, #tpu.memory_space<hbm>> -> memref<128x128xf32, #tpu.memory_space<hbm>>
    %dma_wait3A_449 = arith.constant 0 : i32
    %dma_wait3A_450 = tpu.memref_slice %arg6[%add3A_324, %dma_wait3A_449] : memref<53248x128xf32, #tpu.memory_space<hbm>> -> memref<128x128xf32, #tpu.memory_space<hbm>>
    %dma_wait3A_451 = arith.constant 0 : i32
    %dma_wait3A_452 = arith.constant 0 : i32
    %dma_wait3A_453 = tpu.memref_slice %arg8[%dma_wait3A_442, %dma_wait3A_451, %dma_wait3A_452] : memref<4x128x128xf32, #tpu.memory_space<vmem>> -> memref<1x128x128xf32, #tpu.memory_space<vmem>>
    %dma_wait3A_454 = tpu.memref_squeeze %dma_wait3A_453 : memref<1x128x128xf32, #tpu.memory_space<vmem>> -> memref<128x128xf32, #tpu.memory_space<vmem>>
    tpu.wait_dma2 semaphore(%arg15 : memref<!tpu.dma_semaphore, #tpu.memory_space<semaphore_mem>>) src(%dma_wait3A_454 : memref<128x128xf32, #tpu.memory_space<vmem>>) dst(%dma_wait3A_450 : memref<128x128xf32, #tpu.memory_space<hbm>>)
    %dma_start3A_455 = arith.constant 4 : i32
    %dma_start3A_456 = arith.constant 2 : i32
    %dma_start3A_457 = arith.constant 0 : i32
    %dma_start3A_458 = arith.constant 0 : i32
    %dma_start3A_459 = tpu.memref_slice %arg8[%dma_start3A_456, %dma_start3A_457, %dma_start3A_458] : memref<4x128x128xf32, #tpu.memory_space<vmem>> -> memref<1x128x128xf32, #tpu.memory_space<vmem>>
    %dma_start3A_460 = tpu.memref_squeeze %dma_start3A_459 : memref<1x128x128xf32, #tpu.memory_space<vmem>> -> memref<128x128xf32, #tpu.memory_space<vmem>>
    %dma_start3A_461 = arith.constant 0 : i32
    %dma_start3A_462 = tpu.memref_slice %arg7[%dma_start3A_455, %dma_start3A_461] : memref<7x128xi32, #tpu.memory_space<vmem>> -> memref<1x128xi32, #tpu.memory_space<vmem>>
    %dma_start3A_463 = tpu.memref_squeeze %dma_start3A_462 : memref<1x128xi32, #tpu.memory_space<vmem>> -> memref<128xi32, #tpu.memory_space<vmem>>
    %dma_start3A_464 = arith.constant 0 : i32
    %dma_start3A_465 = arith.constant 0 : i32
    %dma_start3A_466 = tpu.memref_slice %arg5[%dma_start3A_464, %dma_start3A_465] : memref<100000x128xf32, #tpu.memory_space<hbm>> -> memref<100000x128xf32, #tpu.memory_space<hbm>>
    tpu.enqueue_indirect_dma source(%dma_start3A_466 : memref<100000x128xf32, #tpu.memory_space<hbm>>) target(%dma_start3A_460 : memref<128x128xf32, #tpu.memory_space<vmem>>) offsets(%dma_start3A_463 : memref<128xi32, #tpu.memory_space<vmem>>) semaphore(%arg11 : memref<!tpu.dma_semaphore, #tpu.memory_space<semaphore_mem>>)
    %dma_wait3A_467 = arith.constant 3 : i32
    %dma_wait3A_468 = arith.constant 1 : i32
    %dma_wait3A_469 = arith.constant 0 : i32
    %dma_wait3A_470 = arith.constant 0 : i32
    %dma_wait3A_471 = tpu.memref_slice %arg8[%dma_wait3A_468, %dma_wait3A_469, %dma_wait3A_470] : memref<4x128x128xf32, #tpu.memory_space<vmem>> -> memref<1x128x128xf32, #tpu.memory_space<vmem>>
    %dma_wait3A_472 = tpu.memref_squeeze %dma_wait3A_471 : memref<1x128x128xf32, #tpu.memory_space<vmem>> -> memref<128x128xf32, #tpu.memory_space<vmem>>
    %dma_wait3A_473 = arith.constant 0 : i32
    %dma_wait3A_474 = tpu.memref_slice %arg7[%dma_wait3A_467, %dma_wait3A_473] : memref<7x128xi32, #tpu.memory_space<vmem>> -> memref<1x128xi32, #tpu.memory_space<vmem>>
    %dma_wait3A_475 = tpu.memref_squeeze %dma_wait3A_474 : memref<1x128xi32, #tpu.memory_space<vmem>> -> memref<128xi32, #tpu.memory_space<vmem>>
    %dma_wait3A_476 = arith.constant 0 : i32
    %dma_wait3A_477 = arith.constant 0 : i32
    %dma_wait3A_478 = tpu.memref_slice %arg5[%dma_wait3A_476, %dma_wait3A_477] : memref<100000x128xf32, #tpu.memory_space<hbm>> -> memref<100000x128xf32, #tpu.memory_space<hbm>>
    tpu.wait_indirect_dma semaphore(%arg10 : memref<!tpu.dma_semaphore, #tpu.memory_space<semaphore_mem>>) src(%dma_wait3A_478 : memref<100000x128xf32, #tpu.memory_space<hbm>>) dst(%dma_wait3A_472 : memref<128x128xf32, #tpu.memory_space<vmem>>)
    %add3A_479 = arith.constant 36864 : i32
    %add3A_480 = arith.addi %add3A_479, %mul3A_2 : i32
    %dma_start3A_481 = arith.constant 1 : i32
    %dma_start3A_482 = arith.constant 0 : i32
    %dma_start3A_483 = arith.constant 0 : i32
    %dma_start3A_484 = tpu.memref_slice %arg8[%dma_start3A_481, %dma_start3A_482, %dma_start3A_483] : memref<4x128x128xf32, #tpu.memory_space<vmem>> -> memref<1x128x128xf32, #tpu.memory_space<vmem>>
    %dma_start3A_485 = tpu.memref_squeeze %dma_start3A_484 : memref<1x128x128xf32, #tpu.memory_space<vmem>> -> memref<128x128xf32, #tpu.memory_space<vmem>>
    %dma_start3A_486 = arith.constant 0 : i32
    %dma_start3A_487 = tpu.memref_slice %arg6[%add3A_480, %dma_start3A_486] : memref<53248x128xf32, #tpu.memory_space<hbm>> -> memref<128x128xf32, #tpu.memory_space<hbm>>
    %dma_start3A_488 = arith.constant 0 : i32
    %dma_start3A_489 = tpu.memref_slice %arg6[%add3A_480, %dma_start3A_488] : memref<53248x128xf32, #tpu.memory_space<hbm>> -> memref<128x128xf32, #tpu.memory_space<hbm>>
    %dma_start3A_490 = arith.constant 0 : i32
    %dma_start3A_491 = arith.constant 0 : i32
    %dma_start3A_492 = tpu.memref_slice %arg8[%dma_start3A_481, %dma_start3A_490, %dma_start3A_491] : memref<4x128x128xf32, #tpu.memory_space<vmem>> -> memref<1x128x128xf32, #tpu.memory_space<vmem>>
    %dma_start3A_493 = tpu.memref_squeeze %dma_start3A_492 : memref<1x128x128xf32, #tpu.memory_space<vmem>> -> memref<128x128xf32, #tpu.memory_space<vmem>>
    tpu.enqueue_dma source(%dma_start3A_493 : memref<128x128xf32, #tpu.memory_space<vmem>>) target(%dma_start3A_489 : memref<128x128xf32, #tpu.memory_space<hbm>>) target_semaphore(%arg14 : memref<!tpu.dma_semaphore, #tpu.memory_space<semaphore_mem>>)
    %dma_wait3A_494 = arith.constant 3 : i32
    %dma_wait3A_495 = arith.constant 0 : i32
    %dma_wait3A_496 = arith.constant 0 : i32
    %dma_wait3A_497 = tpu.memref_slice %arg8[%dma_wait3A_494, %dma_wait3A_495, %dma_wait3A_496] : memref<4x128x128xf32, #tpu.memory_space<vmem>> -> memref<1x128x128xf32, #tpu.memory_space<vmem>>
    %dma_wait3A_498 = tpu.memref_squeeze %dma_wait3A_497 : memref<1x128x128xf32, #tpu.memory_space<vmem>> -> memref<128x128xf32, #tpu.memory_space<vmem>>
    %dma_wait3A_499 = arith.constant 0 : i32
    %dma_wait3A_500 = tpu.memref_slice %arg6[%add3A_376, %dma_wait3A_499] : memref<53248x128xf32, #tpu.memory_space<hbm>> -> memref<128x128xf32, #tpu.memory_space<hbm>>
    %dma_wait3A_501 = arith.constant 0 : i32
    %dma_wait3A_502 = tpu.memref_slice %arg6[%add3A_376, %dma_wait3A_501] : memref<53248x128xf32, #tpu.memory_space<hbm>> -> memref<128x128xf32, #tpu.memory_space<hbm>>
    %dma_wait3A_503 = arith.constant 0 : i32
    %dma_wait3A_504 = arith.constant 0 : i32
    %dma_wait3A_505 = tpu.memref_slice %arg8[%dma_wait3A_494, %dma_wait3A_503, %dma_wait3A_504] : memref<4x128x128xf32, #tpu.memory_space<vmem>> -> memref<1x128x128xf32, #tpu.memory_space<vmem>>
    %dma_wait3A_506 = tpu.memref_squeeze %dma_wait3A_505 : memref<1x128x128xf32, #tpu.memory_space<vmem>> -> memref<128x128xf32, #tpu.memory_space<vmem>>
    tpu.wait_dma2 semaphore(%arg16 : memref<!tpu.dma_semaphore, #tpu.memory_space<semaphore_mem>>) src(%dma_wait3A_506 : memref<128x128xf32, #tpu.memory_space<vmem>>) dst(%dma_wait3A_502 : memref<128x128xf32, #tpu.memory_space<hbm>>)
    %dma_start3A_507 = arith.constant 5 : i32
    %dma_start3A_508 = arith.constant 3 : i32
    %dma_start3A_509 = arith.constant 0 : i32
    %dma_start3A_510 = arith.constant 0 : i32
    %dma_start3A_511 = tpu.memref_slice %arg8[%dma_start3A_508, %dma_start3A_509, %dma_start3A_510] : memref<4x128x128xf32, #tpu.memory_space<vmem>> -> memref<1x128x128xf32, #tpu.memory_space<vmem>>
    %dma_start3A_512 = tpu.memref_squeeze %dma_start3A_511 : memref<1x128x128xf32, #tpu.memory_space<vmem>> -> memref<128x128xf32, #tpu.memory_space<vmem>>
    %dma_start3A_513 = arith.constant 0 : i32
    %dma_start3A_514 = tpu.memref_slice %arg7[%dma_start3A_507, %dma_start3A_513] : memref<7x128xi32, #tpu.memory_space<vmem>> -> memref<1x128xi32, #tpu.memory_space<vmem>>
    %dma_start3A_515 = tpu.memref_squeeze %dma_start3A_514 : memref<1x128xi32, #tpu.memory_space<vmem>> -> memref<128xi32, #tpu.memory_space<vmem>>
    %dma_start3A_516 = arith.constant 0 : i32
    %dma_start3A_517 = arith.constant 0 : i32
    %dma_start3A_518 = tpu.memref_slice %arg5[%dma_start3A_516, %dma_start3A_517] : memref<100000x128xf32, #tpu.memory_space<hbm>> -> memref<100000x128xf32, #tpu.memory_space<hbm>>
    tpu.enqueue_indirect_dma source(%dma_start3A_518 : memref<100000x128xf32, #tpu.memory_space<hbm>>) target(%dma_start3A_512 : memref<128x128xf32, #tpu.memory_space<vmem>>) offsets(%dma_start3A_515 : memref<128xi32, #tpu.memory_space<vmem>>) semaphore(%arg12 : memref<!tpu.dma_semaphore, #tpu.memory_space<semaphore_mem>>)
    %dma_wait3A_519 = arith.constant 4 : i32
    %dma_wait3A_520 = arith.constant 2 : i32
    %dma_wait3A_521 = arith.constant 0 : i32
    %dma_wait3A_522 = arith.constant 0 : i32
    %dma_wait3A_523 = tpu.memref_slice %arg8[%dma_wait3A_520, %dma_wait3A_521, %dma_wait3A_522] : memref<4x128x128xf32, #tpu.memory_space<vmem>> -> memref<1x128x128xf32, #tpu.memory_space<vmem>>
    %dma_wait3A_524 = tpu.memref_squeeze %dma_wait3A_523 : memref<1x128x128xf32, #tpu.memory_space<vmem>> -> memref<128x128xf32, #tpu.memory_space<vmem>>
    %dma_wait3A_525 = arith.constant 0 : i32
    %dma_wait3A_526 = tpu.memref_slice %arg7[%dma_wait3A_519, %dma_wait3A_525] : memref<7x128xi32, #tpu.memory_space<vmem>> -> memref<1x128xi32, #tpu.memory_space<vmem>>
    %dma_wait3A_527 = tpu.memref_squeeze %dma_wait3A_526 : memref<1x128xi32, #tpu.memory_space<vmem>> -> memref<128xi32, #tpu.memory_space<vmem>>
    %dma_wait3A_528 = arith.constant 0 : i32
    %dma_wait3A_529 = arith.constant 0 : i32
    %dma_wait3A_530 = tpu.memref_slice %arg5[%dma_wait3A_528, %dma_wait3A_529] : memref<100000x128xf32, #tpu.memory_space<hbm>> -> memref<100000x128xf32, #tpu.memory_space<hbm>>
    tpu.wait_indirect_dma semaphore(%arg11 : memref<!tpu.dma_semaphore, #tpu.memory_space<semaphore_mem>>) src(%dma_wait3A_530 : memref<100000x128xf32, #tpu.memory_space<hbm>>) dst(%dma_wait3A_524 : memref<128x128xf32, #tpu.memory_space<vmem>>)
    %add3A_531 = arith.constant 40960 : i32
    %add3A_532 = arith.addi %add3A_531, %mul3A_2 : i32
    %dma_start3A_533 = arith.constant 2 : i32
    %dma_start3A_534 = arith.constant 0 : i32
    %dma_start3A_535 = arith.constant 0 : i32
    %dma_start3A_536 = tpu.memref_slice %arg8[%dma_start3A_533, %dma_start3A_534, %dma_start3A_535] : memref<4x128x128xf32, #tpu.memory_space<vmem>> -> memref<1x128x128xf32, #tpu.memory_space<vmem>>
    %dma_start3A_537 = tpu.memref_squeeze %dma_start3A_536 : memref<1x128x128xf32, #tpu.memory_space<vmem>> -> memref<128x128xf32, #tpu.memory_space<vmem>>
    %dma_start3A_538 = arith.constant 0 : i32
    %dma_start3A_539 = tpu.memref_slice %arg6[%add3A_532, %dma_start3A_538] : memref<53248x128xf32, #tpu.memory_space<hbm>> -> memref<128x128xf32, #tpu.memory_space<hbm>>
    %dma_start3A_540 = arith.constant 0 : i32
    %dma_start3A_541 = tpu.memref_slice %arg6[%add3A_532, %dma_start3A_540] : memref<53248x128xf32, #tpu.memory_space<hbm>> -> memref<128x128xf32, #tpu.memory_space<hbm>>
    %dma_start3A_542 = arith.constant 0 : i32
    %dma_start3A_543 = arith.constant 0 : i32
    %dma_start3A_544 = tpu.memref_slice %arg8[%dma_start3A_533, %dma_start3A_542, %dma_start3A_543] : memref<4x128x128xf32, #tpu.memory_space<vmem>> -> memref<1x128x128xf32, #tpu.memory_space<vmem>>
    %dma_start3A_545 = tpu.memref_squeeze %dma_start3A_544 : memref<1x128x128xf32, #tpu.memory_space<vmem>> -> memref<128x128xf32, #tpu.memory_space<vmem>>
    tpu.enqueue_dma source(%dma_start3A_545 : memref<128x128xf32, #tpu.memory_space<vmem>>) target(%dma_start3A_541 : memref<128x128xf32, #tpu.memory_space<hbm>>) target_semaphore(%arg15 : memref<!tpu.dma_semaphore, #tpu.memory_space<semaphore_mem>>)
    %dma_wait3A_546 = arith.constant 0 : i32
    %dma_wait3A_547 = arith.constant 0 : i32
    %dma_wait3A_548 = arith.constant 0 : i32
    %dma_wait3A_549 = tpu.memref_slice %arg8[%dma_wait3A_546, %dma_wait3A_547, %dma_wait3A_548] : memref<4x128x128xf32, #tpu.memory_space<vmem>> -> memref<1x128x128xf32, #tpu.memory_space<vmem>>
    %dma_wait3A_550 = tpu.memref_squeeze %dma_wait3A_549 : memref<1x128x128xf32, #tpu.memory_space<vmem>> -> memref<128x128xf32, #tpu.memory_space<vmem>>
    %dma_wait3A_551 = arith.constant 0 : i32
    %dma_wait3A_552 = tpu.memref_slice %arg6[%add3A_428, %dma_wait3A_551] : memref<53248x128xf32, #tpu.memory_space<hbm>> -> memref<128x128xf32, #tpu.memory_space<hbm>>
    %dma_wait3A_553 = arith.constant 0 : i32
    %dma_wait3A_554 = tpu.memref_slice %arg6[%add3A_428, %dma_wait3A_553] : memref<53248x128xf32, #tpu.memory_space<hbm>> -> memref<128x128xf32, #tpu.memory_space<hbm>>
    %dma_wait3A_555 = arith.constant 0 : i32
    %dma_wait3A_556 = arith.constant 0 : i32
    %dma_wait3A_557 = tpu.memref_slice %arg8[%dma_wait3A_546, %dma_wait3A_555, %dma_wait3A_556] : memref<4x128x128xf32, #tpu.memory_space<vmem>> -> memref<1x128x128xf32, #tpu.memory_space<vmem>>
    %dma_wait3A_558 = tpu.memref_squeeze %dma_wait3A_557 : memref<1x128x128xf32, #tpu.memory_space<vmem>> -> memref<128x128xf32, #tpu.memory_space<vmem>>
    tpu.wait_dma2 semaphore(%arg13 : memref<!tpu.dma_semaphore, #tpu.memory_space<semaphore_mem>>) src(%dma_wait3A_558 : memref<128x128xf32, #tpu.memory_space<vmem>>) dst(%dma_wait3A_554 : memref<128x128xf32, #tpu.memory_space<hbm>>)
    %dma_start3A_559 = arith.constant 6 : i32
    %dma_start3A_560 = arith.constant 0 : i32
    %dma_start3A_561 = arith.constant 0 : i32
    %dma_start3A_562 = arith.constant 0 : i32
    %dma_start3A_563 = tpu.memref_slice %arg8[%dma_start3A_560, %dma_start3A_561, %dma_start3A_562] : memref<4x128x128xf32, #tpu.memory_space<vmem>> -> memref<1x128x128xf32, #tpu.memory_space<vmem>>
    %dma_start3A_564 = tpu.memref_squeeze %dma_start3A_563 : memref<1x128x128xf32, #tpu.memory_space<vmem>> -> memref<128x128xf32, #tpu.memory_space<vmem>>
    %dma_start3A_565 = arith.constant 0 : i32
    %dma_start3A_566 = tpu.memref_slice %arg7[%dma_start3A_559, %dma_start3A_565] : memref<7x128xi32, #tpu.memory_space<vmem>> -> memref<1x128xi32, #tpu.memory_space<vmem>>
    %dma_start3A_567 = tpu.memref_squeeze %dma_start3A_566 : memref<1x128xi32, #tpu.memory_space<vmem>> -> memref<128xi32, #tpu.memory_space<vmem>>
    %dma_start3A_568 = arith.constant 0 : i32
    %dma_start3A_569 = arith.constant 0 : i32
    %dma_start3A_570 = tpu.memref_slice %arg5[%dma_start3A_568, %dma_start3A_569] : memref<100000x128xf32, #tpu.memory_space<hbm>> -> memref<100000x128xf32, #tpu.memory_space<hbm>>
    tpu.enqueue_indirect_dma source(%dma_start3A_570 : memref<100000x128xf32, #tpu.memory_space<hbm>>) target(%dma_start3A_564 : memref<128x128xf32, #tpu.memory_space<vmem>>) offsets(%dma_start3A_567 : memref<128xi32, #tpu.memory_space<vmem>>) semaphore(%arg9 : memref<!tpu.dma_semaphore, #tpu.memory_space<semaphore_mem>>)
    %dma_wait3A_571 = arith.constant 5 : i32
    %dma_wait3A_572 = arith.constant 3 : i32
    %dma_wait3A_573 = arith.constant 0 : i32
    %dma_wait3A_574 = arith.constant 0 : i32
    %dma_wait3A_575 = tpu.memref_slice %arg8[%dma_wait3A_572, %dma_wait3A_573, %dma_wait3A_574] : memref<4x128x128xf32, #tpu.memory_space<vmem>> -> memref<1x128x128xf32, #tpu.memory_space<vmem>>
    %dma_wait3A_576 = tpu.memref_squeeze %dma_wait3A_575 : memref<1x128x128xf32, #tpu.memory_space<vmem>> -> memref<128x128xf32, #tpu.memory_space<vmem>>
    %dma_wait3A_577 = arith.constant 0 : i32
    %dma_wait3A_578 = tpu.memref_slice %arg7[%dma_wait3A_571, %dma_wait3A_577] : memref<7x128xi32, #tpu.memory_space<vmem>> -> memref<1x128xi32, #tpu.memory_space<vmem>>
    %dma_wait3A_579 = tpu.memref_squeeze %dma_wait3A_578 : memref<1x128xi32, #tpu.memory_space<vmem>> -> memref<128xi32, #tpu.memory_space<vmem>>
    %dma_wait3A_580 = arith.constant 0 : i32
    %dma_wait3A_581 = arith.constant 0 : i32
    %dma_wait3A_582 = tpu.memref_slice %arg5[%dma_wait3A_580, %dma_wait3A_581] : memref<100000x128xf32, #tpu.memory_space<hbm>> -> memref<100000x128xf32, #tpu.memory_space<hbm>>
    tpu.wait_indirect_dma semaphore(%arg12 : memref<!tpu.dma_semaphore, #tpu.memory_space<semaphore_mem>>) src(%dma_wait3A_582 : memref<100000x128xf32, #tpu.memory_space<hbm>>) dst(%dma_wait3A_576 : memref<128x128xf32, #tpu.memory_space<vmem>>)
    %add3A_583 = arith.constant 45056 : i32
    %add3A_584 = arith.addi %add3A_583, %mul3A_2 : i32
    %dma_start3A_585 = arith.constant 3 : i32
    %dma_start3A_586 = arith.constant 0 : i32
    %dma_start3A_587 = arith.constant 0 : i32
    %dma_start3A_588 = tpu.memref_slice %arg8[%dma_start3A_585, %dma_start3A_586, %dma_start3A_587] : memref<4x128x128xf32, #tpu.memory_space<vmem>> -> memref<1x128x128xf32, #tpu.memory_space<vmem>>
    %dma_start3A_589 = tpu.memref_squeeze %dma_start3A_588 : memref<1x128x128xf32, #tpu.memory_space<vmem>> -> memref<128x128xf32, #tpu.memory_space<vmem>>
    %dma_start3A_590 = arith.constant 0 : i32
    %dma_start3A_591 = tpu.memref_slice %arg6[%add3A_584, %dma_start3A_590] : memref<53248x128xf32, #tpu.memory_space<hbm>> -> memref<128x128xf32, #tpu.memory_space<hbm>>
    %dma_start3A_592 = arith.constant 0 : i32
    %dma_start3A_593 = tpu.memref_slice %arg6[%add3A_584, %dma_start3A_592] : memref<53248x128xf32, #tpu.memory_space<hbm>> -> memref<128x128xf32, #tpu.memory_space<hbm>>
    %dma_start3A_594 = arith.constant 0 : i32
    %dma_start3A_595 = arith.constant 0 : i32
    %dma_start3A_596 = tpu.memref_slice %arg8[%dma_start3A_585, %dma_start3A_594, %dma_start3A_595] : memref<4x128x128xf32, #tpu.memory_space<vmem>> -> memref<1x128x128xf32, #tpu.memory_space<vmem>>
    %dma_start3A_597 = tpu.memref_squeeze %dma_start3A_596 : memref<1x128x128xf32, #tpu.memory_space<vmem>> -> memref<128x128xf32, #tpu.memory_space<vmem>>
    tpu.enqueue_dma source(%dma_start3A_597 : memref<128x128xf32, #tpu.memory_space<vmem>>) target(%dma_start3A_593 : memref<128x128xf32, #tpu.memory_space<hbm>>) target_semaphore(%arg16 : memref<!tpu.dma_semaphore, #tpu.memory_space<semaphore_mem>>)
    %dma_wait3A_598 = arith.constant 6 : i32
    %dma_wait3A_599 = arith.constant 0 : i32
    %dma_wait3A_600 = arith.constant 0 : i32
    %dma_wait3A_601 = arith.constant 0 : i32
    %dma_wait3A_602 = tpu.memref_slice %arg8[%dma_wait3A_599, %dma_wait3A_600, %dma_wait3A_601] : memref<4x128x128xf32, #tpu.memory_space<vmem>> -> memref<1x128x128xf32, #tpu.memory_space<vmem>>
    %dma_wait3A_603 = tpu.memref_squeeze %dma_wait3A_602 : memref<1x128x128xf32, #tpu.memory_space<vmem>> -> memref<128x128xf32, #tpu.memory_space<vmem>>
    %dma_wait3A_604 = arith.constant 0 : i32
    %dma_wait3A_605 = tpu.memref_slice %arg7[%dma_wait3A_598, %dma_wait3A_604] : memref<7x128xi32, #tpu.memory_space<vmem>> -> memref<1x128xi32, #tpu.memory_space<vmem>>
    %dma_wait3A_606 = tpu.memref_squeeze %dma_wait3A_605 : memref<1x128xi32, #tpu.memory_space<vmem>> -> memref<128xi32, #tpu.memory_space<vmem>>
    %dma_wait3A_607 = arith.constant 0 : i32
    %dma_wait3A_608 = arith.constant 0 : i32
    %dma_wait3A_609 = tpu.memref_slice %arg5[%dma_wait3A_607, %dma_wait3A_608] : memref<100000x128xf32, #tpu.memory_space<hbm>> -> memref<100000x128xf32, #tpu.memory_space<hbm>>
    tpu.wait_indirect_dma semaphore(%arg9 : memref<!tpu.dma_semaphore, #tpu.memory_space<semaphore_mem>>) src(%dma_wait3A_609 : memref<100000x128xf32, #tpu.memory_space<hbm>>) dst(%dma_wait3A_603 : memref<128x128xf32, #tpu.memory_space<vmem>>)
    %add3A_610 = arith.constant 49152 : i32
    %add3A_611 = arith.addi %add3A_610, %mul3A_2 : i32
    %dma_start3A_612 = arith.constant 0 : i32
    %dma_start3A_613 = arith.constant 0 : i32
    %dma_start3A_614 = arith.constant 0 : i32
    %dma_start3A_615 = tpu.memref_slice %arg8[%dma_start3A_612, %dma_start3A_613, %dma_start3A_614] : memref<4x128x128xf32, #tpu.memory_space<vmem>> -> memref<1x128x128xf32, #tpu.memory_space<vmem>>
    %dma_start3A_616 = tpu.memref_squeeze %dma_start3A_615 : memref<1x128x128xf32, #tpu.memory_space<vmem>> -> memref<128x128xf32, #tpu.memory_space<vmem>>
    %dma_start3A_617 = arith.constant 0 : i32
    %dma_start3A_618 = tpu.memref_slice %arg6[%add3A_611, %dma_start3A_617] : memref<53248x128xf32, #tpu.memory_space<hbm>> -> memref<128x128xf32, #tpu.memory_space<hbm>>
    %dma_start3A_619 = arith.constant 0 : i32
    %dma_start3A_620 = tpu.memref_slice %arg6[%add3A_611, %dma_start3A_619] : memref<53248x128xf32, #tpu.memory_space<hbm>> -> memref<128x128xf32, #tpu.memory_space<hbm>>
    %dma_start3A_621 = arith.constant 0 : i32
    %dma_start3A_622 = arith.constant 0 : i32
    %dma_start3A_623 = tpu.memref_slice %arg8[%dma_start3A_612, %dma_start3A_621, %dma_start3A_622] : memref<4x128x128xf32, #tpu.memory_space<vmem>> -> memref<1x128x128xf32, #tpu.memory_space<vmem>>
    %dma_start3A_624 = tpu.memref_squeeze %dma_start3A_623 : memref<1x128x128xf32, #tpu.memory_space<vmem>> -> memref<128x128xf32, #tpu.memory_space<vmem>>
    tpu.enqueue_dma source(%dma_start3A_624 : memref<128x128xf32, #tpu.memory_space<vmem>>) target(%dma_start3A_620 : memref<128x128xf32, #tpu.memory_space<hbm>>) target_semaphore(%arg13 : memref<!tpu.dma_semaphore, #tpu.memory_space<semaphore_mem>>)
    %dma_wait3A_625 = arith.constant 3 : i32
    %dma_wait3A_626 = arith.constant 0 : i32
    %dma_wait3A_627 = arith.constant 0 : i32
    %dma_wait3A_628 = tpu.memref_slice %arg8[%dma_wait3A_625, %dma_wait3A_626, %dma_wait3A_627] : memref<4x128x128xf32, #tpu.memory_space<vmem>> -> memref<1x128x128xf32, #tpu.memory_space<vmem>>
    %dma_wait3A_629 = tpu.memref_squeeze %dma_wait3A_628 : memref<1x128x128xf32, #tpu.memory_space<vmem>> -> memref<128x128xf32, #tpu.memory_space<vmem>>
    %dma_wait3A_630 = arith.constant 0 : i32
    %dma_wait3A_631 = tpu.memref_slice %arg6[%add3A_584, %dma_wait3A_630] : memref<53248x128xf32, #tpu.memory_space<hbm>> -> memref<128x128xf32, #tpu.memory_space<hbm>>
    %dma_wait3A_632 = arith.constant 0 : i32
    %dma_wait3A_633 = tpu.memref_slice %arg6[%add3A_584, %dma_wait3A_632] : memref<53248x128xf32, #tpu.memory_space<hbm>> -> memref<128x128xf32, #tpu.memory_space<hbm>>
    %dma_wait3A_634 = arith.constant 0 : i32
    %dma_wait3A_635 = arith.constant 0 : i32
    %dma_wait3A_636 = tpu.memref_slice %arg8[%dma_wait3A_625, %dma_wait3A_634, %dma_wait3A_635] : memref<4x128x128xf32, #tpu.memory_space<vmem>> -> memref<1x128x128xf32, #tpu.memory_space<vmem>>
    %dma_wait3A_637 = tpu.memref_squeeze %dma_wait3A_636 : memref<1x128x128xf32, #tpu.memory_space<vmem>> -> memref<128x128xf32, #tpu.memory_space<vmem>>
    tpu.wait_dma2 semaphore(%arg16 : memref<!tpu.dma_semaphore, #tpu.memory_space<semaphore_mem>>) src(%dma_wait3A_637 : memref<128x128xf32, #tpu.memory_space<vmem>>) dst(%dma_wait3A_633 : memref<128x128xf32, #tpu.memory_space<hbm>>)
    %dma_wait3A_638 = arith.constant 0 : i32
    %dma_wait3A_639 = arith.constant 0 : i32
    %dma_wait3A_640 = arith.constant 0 : i32
    %dma_wait3A_641 = tpu.memref_slice %arg8[%dma_wait3A_638, %dma_wait3A_639, %dma_wait3A_640] : memref<4x128x128xf32, #tpu.memory_space<vmem>> -> memref<1x128x128xf32, #tpu.memory_space<vmem>>
    %dma_wait3A_642 = tpu.memref_squeeze %dma_wait3A_641 : memref<1x128x128xf32, #tpu.memory_space<vmem>> -> memref<128x128xf32, #tpu.memory_space<vmem>>
    %dma_wait3A_643 = arith.constant 0 : i32
    %dma_wait3A_644 = tpu.memref_slice %arg6[%add3A_611, %dma_wait3A_643] : memref<53248x128xf32, #tpu.memory_space<hbm>> -> memref<128x128xf32, #tpu.memory_space<hbm>>
    %dma_wait3A_645 = arith.constant 0 : i32
    %dma_wait3A_646 = tpu.memref_slice %arg6[%add3A_611, %dma_wait3A_645] : memref<53248x128xf32, #tpu.memory_space<hbm>> -> memref<128x128xf32, #tpu.memory_space<hbm>>
    %dma_wait3A_647 = arith.constant 0 : i32
    %dma_wait3A_648 = arith.constant 0 : i32
    %dma_wait3A_649 = tpu.memref_slice %arg8[%dma_wait3A_638, %dma_wait3A_647, %dma_wait3A_648] : memref<4x128x128xf32, #tpu.memory_space<vmem>> -> memref<1x128x128xf32, #tpu.memory_space<vmem>>
    %dma_wait3A_650 = tpu.memref_squeeze %dma_wait3A_649 : memref<1x128x128xf32, #tpu.memory_space<vmem>> -> memref<128x128xf32, #tpu.memory_space<vmem>>
    tpu.wait_dma2 semaphore(%arg13 : memref<!tpu.dma_semaphore, #tpu.memory_space<semaphore_mem>>) src(%dma_wait3A_650 : memref<128x128xf32, #tpu.memory_space<vmem>>) dst(%dma_wait3A_646 : memref<128x128xf32, #tpu.memory_space<hbm>>)
    %dma_wait3A_651 = arith.constant 1 : i32
    %dma_wait3A_652 = arith.constant 0 : i32
    %dma_wait3A_653 = arith.constant 0 : i32
    %dma_wait3A_654 = tpu.memref_slice %arg8[%dma_wait3A_651, %dma_wait3A_652, %dma_wait3A_653] : memref<4x128x128xf32, #tpu.memory_space<vmem>> -> memref<1x128x128xf32, #tpu.memory_space<vmem>>
    %dma_wait3A_655 = tpu.memref_squeeze %dma_wait3A_654 : memref<1x128x128xf32, #tpu.memory_space<vmem>> -> memref<128x128xf32, #tpu.memory_space<vmem>>
    %dma_wait3A_656 = arith.constant 0 : i32
    %dma_wait3A_657 = tpu.memref_slice %arg6[%add3A_480, %dma_wait3A_656] : memref<53248x128xf32, #tpu.memory_space<hbm>> -> memref<128x128xf32, #tpu.memory_space<hbm>>
    %dma_wait3A_658 = arith.constant 0 : i32
    %dma_wait3A_659 = tpu.memref_slice %arg6[%add3A_480, %dma_wait3A_658] : memref<53248x128xf32, #tpu.memory_space<hbm>> -> memref<128x128xf32, #tpu.memory_space<hbm>>
    %dma_wait3A_660 = arith.constant 0 : i32
    %dma_wait3A_661 = arith.constant 0 : i32
    %dma_wait3A_662 = tpu.memref_slice %arg8[%dma_wait3A_651, %dma_wait3A_660, %dma_wait3A_661] : memref<4x128x128xf32, #tpu.memory_space<vmem>> -> memref<1x128x128xf32, #tpu.memory_space<vmem>>
    %dma_wait3A_663 = tpu.memref_squeeze %dma_wait3A_662 : memref<1x128x128xf32, #tpu.memory_space<vmem>> -> memref<128x128xf32, #tpu.memory_space<vmem>>
    tpu.wait_dma2 semaphore(%arg14 : memref<!tpu.dma_semaphore, #tpu.memory_space<semaphore_mem>>) src(%dma_wait3A_663 : memref<128x128xf32, #tpu.memory_space<vmem>>) dst(%dma_wait3A_659 : memref<128x128xf32, #tpu.memory_space<hbm>>)
    %dma_wait3A_664 = arith.constant 2 : i32
    %dma_wait3A_665 = arith.constant 0 : i32
    %dma_wait3A_666 = arith.constant 0 : i32
    %dma_wait3A_667 = tpu.memref_slice %arg8[%dma_wait3A_664, %dma_wait3A_665, %dma_wait3A_666] : memref<4x128x128xf32, #tpu.memory_space<vmem>> -> memref<1x128x128xf32, #tpu.memory_space<vmem>>
    %dma_wait3A_668 = tpu.memref_squeeze %dma_wait3A_667 : memref<1x128x128xf32, #tpu.memory_space<vmem>> -> memref<128x128xf32, #tpu.memory_space<vmem>>
    %dma_wait3A_669 = arith.constant 0 : i32
    %dma_wait3A_670 = tpu.memref_slice %arg6[%add3A_532, %dma_wait3A_669] : memref<53248x128xf32, #tpu.memory_space<hbm>> -> memref<128x128xf32, #tpu.memory_space<hbm>>
    %dma_wait3A_671 = arith.constant 0 : i32
    %dma_wait3A_672 = tpu.memref_slice %arg6[%add3A_532, %dma_wait3A_671] : memref<53248x128xf32, #tpu.memory_space<hbm>> -> memref<128x128xf32, #tpu.memory_space<hbm>>
    %dma_wait3A_673 = arith.constant 0 : i32
    %dma_wait3A_674 = arith.constant 0 : i32
    %dma_wait3A_675 = tpu.memref_slice %arg8[%dma_wait3A_664, %dma_wait3A_673, %dma_wait3A_674] : memref<4x128x128xf32, #tpu.memory_space<vmem>> -> memref<1x128x128xf32, #tpu.memory_space<vmem>>
    %dma_wait3A_676 = tpu.memref_squeeze %dma_wait3A_675 : memref<1x128x128xf32, #tpu.memory_space<vmem>> -> memref<128x128xf32, #tpu.memory_space<vmem>>
    tpu.wait_dma2 semaphore(%arg15 : memref<!tpu.dma_semaphore, #tpu.memory_space<semaphore_mem>>) src(%dma_wait3A_676 : memref<128x128xf32, #tpu.memory_space<vmem>>) dst(%dma_wait3A_672 : memref<128x128xf32, #tpu.memory_space<hbm>>)
    return
  }
}

module attributes {stable_mosaic.version = 14 : i64} {
  func.func @_tc_body(%arg0: i32, %arg1: memref<13x1024x128xf32, #tpu.memory_space<vmem>>, %arg2: memref<128x128xf32, #tpu.memory_space<vmem>>, %arg3: memref<128x256xf32, #tpu.memory_space<vmem>>, %arg4: memref<1x128xf32, #tpu.memory_space<vmem>>, %arg5: memref<1x128xf32, #tpu.memory_space<vmem>>, %arg6: memref<1x1xf32, #tpu.memory_space<smem>>) attributes {dimension_semantics = [#tpu.dimension_semantics<arbitrary>], iteration_bounds = array<i64: 4>, scalar_prefetch = 0 : i64, scratch_operands = 0 : i64, tpu.core_type = #tpu.core_type<tc>, window_params = [{transform_indices = @transform_0, window_bounds = array<i64: 13, 1024, 128>}, {pipeline_mode = #tpu.pipeline_mode<synchronous>, transform_indices = @transform_1, window_bounds = array<i64: 128, 128>}, {pipeline_mode = #tpu.pipeline_mode<synchronous>, transform_indices = @transform_2, window_bounds = array<i64: 128, 256>}, {pipeline_mode = #tpu.pipeline_mode<synchronous>, transform_indices = @transform_3, window_bounds = array<i64: 1, 128>}, {pipeline_mode = #tpu.pipeline_mode<synchronous>, transform_indices = @transform_4, window_bounds = array<i64: 1, 128>}, {transform_indices = @transform_5, window_bounds = array<i64: 1, 1>}]} {
    %get3A = arith.constant 0 : index
    %get3A_0 = arith.constant 0 : index
    %get3A_1 = arith.constant 0 : index
    %get3A_2 = vector.load %arg1[%get3A, %get3A_0, %get3A_1] : memref<13x1024x128xf32, #tpu.memory_space<vmem>>, vector<1x1024x128xf32>
    %get3A_3 = vector.shape_cast %get3A_2 : vector<1x1024x128xf32> to vector<1024x128xf32>
    %get3A_4 = arith.constant 0 : index
    %get3A_5 = arith.constant 0 : index
    %get3A_6 = vector.load %arg3[%get3A_4, %get3A_5] : memref<128x256xf32, #tpu.memory_space<vmem>>, vector<128x256xf32>
    %dot_general3A = arith.constant dense<0.000000e+00> : vector<1024x256xf32>
    %dot_general3A_7 = tpu.matmul %get3A_3, %get3A_6, %dot_general3A {dimension_numbers = #tpu.dot_dimension_numbers<[1], [0], [0], [1], [0, 0, 1, 1], [], []>, transpose_lhs_hint = false} : vector<1024x128xf32>, vector<128x256xf32>, vector<1024x256xf32> -> vector<1024x256xf32>
    %slice3A = vector.extract_strided_slice %dot_general3A_7 {offsets = [0, 0], sizes = [1024, 128], strides = [1, 1]} : vector<1024x256xf32> to vector<1024x128xf32>
    %slice3A_8 = vector.extract_strided_slice %dot_general3A_7 {offsets = [0, 128], sizes = [1024, 128], strides = [1, 1]} : vector<1024x256xf32> to vector<1024x128xf32>
    %get3A_9 = arith.constant 0 : index
    %get3A_10 = arith.constant 0 : index
    %get3A_11 = vector.load %arg2[%get3A_9, %get3A_10] : memref<128x128xf32, #tpu.memory_space<vmem>>, vector<128x128xf32>
    %dot_general3A_12 = arith.constant dense<0.000000e+00> : vector<1024x128xf32>
    %dot_general3A_13 = tpu.matmul %slice3A, %get3A_11, %dot_general3A_12 {dimension_numbers = #tpu.dot_dimension_numbers<[1], [0], [0], [1], [0, 0, 1, 1], [], []>, transpose_lhs_hint = false} : vector<1024x128xf32>, vector<128x128xf32>, vector<1024x128xf32> -> vector<1024x128xf32>
    %dot_general3A_14 = arith.constant dense<0.000000e+00> : vector<1024x128xf32>
    %dot_general3A_15 = tpu.matmul %slice3A_8, %get3A_11, %dot_general3A_14 {dimension_numbers = #tpu.dot_dimension_numbers<[1], [0], [0], [1], [0, 0, 1, 1], [], []>, transpose_lhs_hint = false} : vector<1024x128xf32>, vector<128x128xf32>, vector<1024x128xf32> -> vector<1024x128xf32>
    %get3A_16 = arith.constant 0 : index
    %get3A_17 = arith.constant 0 : index
    %get3A_18 = vector.load %arg4[%get3A_16, %get3A_17] : memref<1x128xf32, #tpu.memory_space<vmem>>, vector<1x128xf32>
    %get3A_19 = arith.constant 0 : index
    %get3A_20 = arith.constant 0 : index
    %get3A_21 = vector.load %arg5[%get3A_19, %get3A_20] : memref<1x128xf32, #tpu.memory_space<vmem>>, vector<1x128xf32>
    %mul3A = vector.broadcast %get3A_21 : vector<1x128xf32> to vector<1024x128xf32>
    %mul3A_22 = arith.mulf %get3A_3, %mul3A : vector<1024x128xf32>
    %reduce_sum3A = arith.constant dense<0.000000e+00> : vector<1024xf32>
    %reduce_sum3A_23 = vector.multi_reduction <add>, %mul3A_22, %reduce_sum3A [1] : vector<1024x128xf32> to vector<1024xf32>
    %mul3A_24 = vector.broadcast %get3A_18 : vector<1x128xf32> to vector<1024x128xf32>
    %mul3A_25 = arith.mulf %slice3A, %mul3A_24 : vector<1024x128xf32>
    %reduce_sum3A_26 = arith.constant dense<0.000000e+00> : vector<1024xf32>
    %reduce_sum3A_27 = vector.multi_reduction <add>, %mul3A_25, %reduce_sum3A_26 [1] : vector<1024x128xf32> to vector<1024xf32>
    %mul3A_28 = vector.broadcast %get3A_18 : vector<1x128xf32> to vector<1024x128xf32>
    %mul3A_29 = arith.mulf %slice3A_8, %mul3A_28 : vector<1024x128xf32>
    %reduce_sum3A_30 = arith.constant dense<0.000000e+00> : vector<1024xf32>
    %reduce_sum3A_31 = vector.multi_reduction <add>, %mul3A_29, %reduce_sum3A_30 [1] : vector<1024x128xf32> to vector<1024xf32>
    %get3A_32 = arith.constant 1 : index
    %get3A_33 = arith.constant 0 : index
    %get3A_34 = arith.constant 0 : index
    %get3A_35 = vector.load %arg1[%get3A_32, %get3A_33, %get3A_34] : memref<13x1024x128xf32, #tpu.memory_space<vmem>>, vector<1x1024x128xf32>
    %get3A_36 = vector.shape_cast %get3A_35 : vector<1x1024x128xf32> to vector<1024x128xf32>
    %mul3A_37 = arith.mulf %slice3A, %get3A_36 : vector<1024x128xf32>
    %get3A_38 = arith.constant 2 : index
    %get3A_39 = arith.constant 0 : index
    %get3A_40 = arith.constant 0 : index
    %get3A_41 = vector.load %arg1[%get3A_38, %get3A_39, %get3A_40] : memref<13x1024x128xf32, #tpu.memory_space<vmem>>, vector<1x1024x128xf32>
    %get3A_42 = vector.shape_cast %get3A_41 : vector<1x1024x128xf32> to vector<1024x128xf32>
    %mul3A_43 = arith.mulf %dot_general3A_15, %get3A_42 : vector<1024x128xf32>
    %add3A = arith.addf %mul3A_37, %mul3A_43 : vector<1024x128xf32>
    %reduce_sum3A_44 = arith.constant dense<0.000000e+00> : vector<1024xf32>
    %reduce_sum3A_45 = vector.multi_reduction <add>, %add3A, %reduce_sum3A_44 [1] : vector<1024x128xf32> to vector<1024xf32>
    %add3A_46 = arith.addf %reduce_sum3A_45, %reduce_sum3A_31 : vector<1024xf32>
    %add3A_47 = arith.addf %add3A_46, %reduce_sum3A_23 : vector<1024xf32>
    %min3A = arith.constant 0.000000e+00 : f32
    %min3A_48 = vector.broadcast %min3A : f32 to vector<1024xf32>
    %min3A_49 = arith.minimumf %add3A_47, %min3A_48 : vector<1024xf32>
    %abs3A = math.absf %add3A_47 : vector<1024xf32>
    %neg3A = arith.constant 0.000000e+00 : f32
    %neg3A_50 = vector.broadcast %neg3A : f32 to vector<1024xf32>
    %neg3A_51 = arith.subf %neg3A_50, %abs3A : vector<1024xf32>
    %exp3A = math.exp %neg3A_51 : vector<1024xf32>
    %log1p3A = math.log1p %exp3A : vector<1024xf32>
    %sub3A = arith.subf %min3A_49, %log1p3A : vector<1024xf32>
    %reduce_sum3A_52 = vector.shape_cast %sub3A : vector<1024xf32> to vector<1x1024xf32>
    %reduce_sum3A_53 = arith.constant dense<0.000000e+00> : vector<1xf32>
    %reduce_sum3A_54 = vector.multi_reduction <add>, %reduce_sum3A_52, %reduce_sum3A_53 [1] : vector<1x1024xf32> to vector<1xf32>
    %reduce_sum3A_55 = vector.shape_cast %reduce_sum3A_54 : vector<1xf32> to vector<1x1xf32>
    %reduce_sum3A_56 = vector.extract %reduce_sum3A_55[0, 0] : f32 from vector<1x1xf32>
    %neg3A_57 = arith.constant 0.000000e+00 : f32
    %neg3A_58 = arith.subf %neg3A_57, %reduce_sum3A_56 : f32
    %div3A = arith.constant 4.096000e+03 : f32
    %div3A_59 = arith.divf %neg3A_58, %div3A : f32
    %add3A_60 = arith.addf %reduce_sum3A_27, %reduce_sum3A_23 : vector<1024xf32>
    %get3A_61 = arith.constant 3 : index
    %get3A_62 = arith.constant 0 : index
    %get3A_63 = arith.constant 0 : index
    %get3A_64 = vector.load %arg1[%get3A_61, %get3A_62, %get3A_63] : memref<13x1024x128xf32, #tpu.memory_space<vmem>>, vector<1x1024x128xf32>
    %get3A_65 = vector.shape_cast %get3A_64 : vector<1x1024x128xf32> to vector<1024x128xf32>
    %mul3A_66 = arith.mulf %dot_general3A_13, %get3A_65 : vector<1024x128xf32>
    %get3A_67 = arith.constant 8 : index
    %get3A_68 = arith.constant 0 : index
    %get3A_69 = arith.constant 0 : index
    %get3A_70 = vector.load %arg1[%get3A_67, %get3A_68, %get3A_69] : memref<13x1024x128xf32, #tpu.memory_space<vmem>>, vector<1x1024x128xf32>
    %get3A_71 = vector.shape_cast %get3A_70 : vector<1x1024x128xf32> to vector<1024x128xf32>
    %mul3A_72 = arith.mulf %slice3A_8, %get3A_71 : vector<1024x128xf32>
    %add3A_73 = arith.addf %mul3A_66, %mul3A_72 : vector<1024x128xf32>
    %reduce_sum3A_74 = arith.constant dense<0.000000e+00> : vector<1024xf32>
    %reduce_sum3A_75 = vector.multi_reduction <add>, %add3A_73, %reduce_sum3A_74 [1] : vector<1024x128xf32> to vector<1024xf32>
    %add3A_76 = arith.addf %reduce_sum3A_75, %add3A_60 : vector<1024xf32>
    %neg3A_77 = arith.constant 0.000000e+00 : f32
    %neg3A_78 = vector.broadcast %neg3A_77 : f32 to vector<1024xf32>
    %neg3A_79 = arith.subf %neg3A_78, %add3A_76 : vector<1024xf32>
    %min3A_80 = arith.constant 0.000000e+00 : f32
    %min3A_81 = vector.broadcast %min3A_80 : f32 to vector<1024xf32>
    %min3A_82 = arith.minimumf %neg3A_79, %min3A_81 : vector<1024xf32>
    %abs3A_83 = math.absf %neg3A_79 : vector<1024xf32>
    %neg3A_84 = arith.constant 0.000000e+00 : f32
    %neg3A_85 = vector.broadcast %neg3A_84 : f32 to vector<1024xf32>
    %neg3A_86 = arith.subf %neg3A_85, %abs3A_83 : vector<1024xf32>
    %exp3A_87 = math.exp %neg3A_86 : vector<1024xf32>
    %log1p3A_88 = math.log1p %exp3A_87 : vector<1024xf32>
    %sub3A_89 = arith.subf %min3A_82, %log1p3A_88 : vector<1024xf32>
    %reduce_sum3A_90 = vector.shape_cast %sub3A_89 : vector<1024xf32> to vector<1x1024xf32>
    %reduce_sum3A_91 = arith.constant dense<0.000000e+00> : vector<1xf32>
    %reduce_sum3A_92 = vector.multi_reduction <add>, %reduce_sum3A_90, %reduce_sum3A_91 [1] : vector<1x1024xf32> to vector<1xf32>
    %reduce_sum3A_93 = vector.shape_cast %reduce_sum3A_92 : vector<1xf32> to vector<1x1xf32>
    %reduce_sum3A_94 = vector.extract %reduce_sum3A_93[0, 0] : f32 from vector<1x1xf32>
    %sub3A_95 = arith.subf %div3A_59, %reduce_sum3A_94 : f32
    %get3A_96 = arith.constant 4 : index
    %get3A_97 = arith.constant 0 : index
    %get3A_98 = arith.constant 0 : index
    %get3A_99 = vector.load %arg1[%get3A_96, %get3A_97, %get3A_98] : memref<13x1024x128xf32, #tpu.memory_space<vmem>>, vector<1x1024x128xf32>
    %get3A_100 = vector.shape_cast %get3A_99 : vector<1x1024x128xf32> to vector<1024x128xf32>
    %mul3A_101 = arith.mulf %dot_general3A_13, %get3A_100 : vector<1024x128xf32>
    %get3A_102 = arith.constant 9 : index
    %get3A_103 = arith.constant 0 : index
    %get3A_104 = arith.constant 0 : index
    %get3A_105 = vector.load %arg1[%get3A_102, %get3A_103, %get3A_104] : memref<13x1024x128xf32, #tpu.memory_space<vmem>>, vector<1x1024x128xf32>
    %get3A_106 = vector.shape_cast %get3A_105 : vector<1x1024x128xf32> to vector<1024x128xf32>
    %mul3A_107 = arith.mulf %slice3A_8, %get3A_106 : vector<1024x128xf32>
    %add3A_108 = arith.addf %mul3A_101, %mul3A_107 : vector<1024x128xf32>
    %reduce_sum3A_109 = arith.constant dense<0.000000e+00> : vector<1024xf32>
    %reduce_sum3A_110 = vector.multi_reduction <add>, %add3A_108, %reduce_sum3A_109 [1] : vector<1024x128xf32> to vector<1024xf32>
    %add3A_111 = arith.addf %reduce_sum3A_110, %add3A_60 : vector<1024xf32>
    %neg3A_112 = arith.constant 0.000000e+00 : f32
    %neg3A_113 = vector.broadcast %neg3A_112 : f32 to vector<1024xf32>
    %neg3A_114 = arith.subf %neg3A_113, %add3A_111 : vector<1024xf32>
    %min3A_115 = arith.constant 0.000000e+00 : f32
    %min3A_116 = vector.broadcast %min3A_115 : f32 to vector<1024xf32>
    %min3A_117 = arith.minimumf %neg3A_114, %min3A_116 : vector<1024xf32>
    %abs3A_118 = math.absf %neg3A_114 : vector<1024xf32>
    %neg3A_119 = arith.constant 0.000000e+00 : f32
    %neg3A_120 = vector.broadcast %neg3A_119 : f32 to vector<1024xf32>
    %neg3A_121 = arith.subf %neg3A_120, %abs3A_118 : vector<1024xf32>
    %exp3A_122 = math.exp %neg3A_121 : vector<1024xf32>
    %log1p3A_123 = math.log1p %exp3A_122 : vector<1024xf32>
    %sub3A_124 = arith.subf %min3A_117, %log1p3A_123 : vector<1024xf32>
    %reduce_sum3A_125 = vector.shape_cast %sub3A_124 : vector<1024xf32> to vector<1x1024xf32>
    %reduce_sum3A_126 = arith.constant dense<0.000000e+00> : vector<1xf32>
    %reduce_sum3A_127 = vector.multi_reduction <add>, %reduce_sum3A_125, %reduce_sum3A_126 [1] : vector<1x1024xf32> to vector<1xf32>
    %reduce_sum3A_128 = vector.shape_cast %reduce_sum3A_127 : vector<1xf32> to vector<1x1xf32>
    %reduce_sum3A_129 = vector.extract %reduce_sum3A_128[0, 0] : f32 from vector<1x1xf32>
    %sub3A_130 = arith.subf %sub3A_95, %reduce_sum3A_129 : f32
    %get3A_131 = arith.constant 5 : index
    %get3A_132 = arith.constant 0 : index
    %get3A_133 = arith.constant 0 : index
    %get3A_134 = vector.load %arg1[%get3A_131, %get3A_132, %get3A_133] : memref<13x1024x128xf32, #tpu.memory_space<vmem>>, vector<1x1024x128xf32>
    %get3A_135 = vector.shape_cast %get3A_134 : vector<1x1024x128xf32> to vector<1024x128xf32>
    %mul3A_136 = arith.mulf %dot_general3A_13, %get3A_135 : vector<1024x128xf32>
    %get3A_137 = arith.constant 10 : index
    %get3A_138 = arith.constant 0 : index
    %get3A_139 = arith.constant 0 : index
    %get3A_140 = vector.load %arg1[%get3A_137, %get3A_138, %get3A_139] : memref<13x1024x128xf32, #tpu.memory_space<vmem>>, vector<1x1024x128xf32>
    %get3A_141 = vector.shape_cast %get3A_140 : vector<1x1024x128xf32> to vector<1024x128xf32>
    %mul3A_142 = arith.mulf %slice3A_8, %get3A_141 : vector<1024x128xf32>
    %add3A_143 = arith.addf %mul3A_136, %mul3A_142 : vector<1024x128xf32>
    %reduce_sum3A_144 = arith.constant dense<0.000000e+00> : vector<1024xf32>
    %reduce_sum3A_145 = vector.multi_reduction <add>, %add3A_143, %reduce_sum3A_144 [1] : vector<1024x128xf32> to vector<1024xf32>
    %add3A_146 = arith.addf %reduce_sum3A_145, %add3A_60 : vector<1024xf32>
    %neg3A_147 = arith.constant 0.000000e+00 : f32
    %neg3A_148 = vector.broadcast %neg3A_147 : f32 to vector<1024xf32>
    %neg3A_149 = arith.subf %neg3A_148, %add3A_146 : vector<1024xf32>
    %min3A_150 = arith.constant 0.000000e+00 : f32
    %min3A_151 = vector.broadcast %min3A_150 : f32 to vector<1024xf32>
    %min3A_152 = arith.minimumf %neg3A_149, %min3A_151 : vector<1024xf32>
    %abs3A_153 = math.absf %neg3A_149 : vector<1024xf32>
    %neg3A_154 = arith.constant 0.000000e+00 : f32
    %neg3A_155 = vector.broadcast %neg3A_154 : f32 to vector<1024xf32>
    %neg3A_156 = arith.subf %neg3A_155, %abs3A_153 : vector<1024xf32>
    %exp3A_157 = math.exp %neg3A_156 : vector<1024xf32>
    %log1p3A_158 = math.log1p %exp3A_157 : vector<1024xf32>
    %sub3A_159 = arith.subf %min3A_152, %log1p3A_158 : vector<1024xf32>
    %reduce_sum3A_160 = vector.shape_cast %sub3A_159 : vector<1024xf32> to vector<1x1024xf32>
    %reduce_sum3A_161 = arith.constant dense<0.000000e+00> : vector<1xf32>
    %reduce_sum3A_162 = vector.multi_reduction <add>, %reduce_sum3A_160, %reduce_sum3A_161 [1] : vector<1x1024xf32> to vector<1xf32>
    %reduce_sum3A_163 = vector.shape_cast %reduce_sum3A_162 : vector<1xf32> to vector<1x1xf32>
    %reduce_sum3A_164 = vector.extract %reduce_sum3A_163[0, 0] : f32 from vector<1x1xf32>
    %sub3A_165 = arith.subf %sub3A_130, %reduce_sum3A_164 : f32
    %get3A_166 = arith.constant 6 : index
    %get3A_167 = arith.constant 0 : index
    %get3A_168 = arith.constant 0 : index
    %get3A_169 = vector.load %arg1[%get3A_166, %get3A_167, %get3A_168] : memref<13x1024x128xf32, #tpu.memory_space<vmem>>, vector<1x1024x128xf32>
    %get3A_170 = vector.shape_cast %get3A_169 : vector<1x1024x128xf32> to vector<1024x128xf32>
    %mul3A_171 = arith.mulf %dot_general3A_13, %get3A_170 : vector<1024x128xf32>
    %get3A_172 = arith.constant 11 : index
    %get3A_173 = arith.constant 0 : index
    %get3A_174 = arith.constant 0 : index
    %get3A_175 = vector.load %arg1[%get3A_172, %get3A_173, %get3A_174] : memref<13x1024x128xf32, #tpu.memory_space<vmem>>, vector<1x1024x128xf32>
    %get3A_176 = vector.shape_cast %get3A_175 : vector<1x1024x128xf32> to vector<1024x128xf32>
    %mul3A_177 = arith.mulf %slice3A_8, %get3A_176 : vector<1024x128xf32>
    %add3A_178 = arith.addf %mul3A_171, %mul3A_177 : vector<1024x128xf32>
    %reduce_sum3A_179 = arith.constant dense<0.000000e+00> : vector<1024xf32>
    %reduce_sum3A_180 = vector.multi_reduction <add>, %add3A_178, %reduce_sum3A_179 [1] : vector<1024x128xf32> to vector<1024xf32>
    %add3A_181 = arith.addf %reduce_sum3A_180, %add3A_60 : vector<1024xf32>
    %neg3A_182 = arith.constant 0.000000e+00 : f32
    %neg3A_183 = vector.broadcast %neg3A_182 : f32 to vector<1024xf32>
    %neg3A_184 = arith.subf %neg3A_183, %add3A_181 : vector<1024xf32>
    %min3A_185 = arith.constant 0.000000e+00 : f32
    %min3A_186 = vector.broadcast %min3A_185 : f32 to vector<1024xf32>
    %min3A_187 = arith.minimumf %neg3A_184, %min3A_186 : vector<1024xf32>
    %abs3A_188 = math.absf %neg3A_184 : vector<1024xf32>
    %neg3A_189 = arith.constant 0.000000e+00 : f32
    %neg3A_190 = vector.broadcast %neg3A_189 : f32 to vector<1024xf32>
    %neg3A_191 = arith.subf %neg3A_190, %abs3A_188 : vector<1024xf32>
    %exp3A_192 = math.exp %neg3A_191 : vector<1024xf32>
    %log1p3A_193 = math.log1p %exp3A_192 : vector<1024xf32>
    %sub3A_194 = arith.subf %min3A_187, %log1p3A_193 : vector<1024xf32>
    %reduce_sum3A_195 = vector.shape_cast %sub3A_194 : vector<1024xf32> to vector<1x1024xf32>
    %reduce_sum3A_196 = arith.constant dense<0.000000e+00> : vector<1xf32>
    %reduce_sum3A_197 = vector.multi_reduction <add>, %reduce_sum3A_195, %reduce_sum3A_196 [1] : vector<1x1024xf32> to vector<1xf32>
    %reduce_sum3A_198 = vector.shape_cast %reduce_sum3A_197 : vector<1xf32> to vector<1x1xf32>
    %reduce_sum3A_199 = vector.extract %reduce_sum3A_198[0, 0] : f32 from vector<1x1xf32>
    %sub3A_200 = arith.subf %sub3A_165, %reduce_sum3A_199 : f32
    %get3A_201 = arith.constant 7 : index
    %get3A_202 = arith.constant 0 : index
    %get3A_203 = arith.constant 0 : index
    %get3A_204 = vector.load %arg1[%get3A_201, %get3A_202, %get3A_203] : memref<13x1024x128xf32, #tpu.memory_space<vmem>>, vector<1x1024x128xf32>
    %get3A_205 = vector.shape_cast %get3A_204 : vector<1x1024x128xf32> to vector<1024x128xf32>
    %mul3A_206 = arith.mulf %dot_general3A_13, %get3A_205 : vector<1024x128xf32>
    %get3A_207 = arith.constant 12 : index
    %get3A_208 = arith.constant 0 : index
    %get3A_209 = arith.constant 0 : index
    %get3A_210 = vector.load %arg1[%get3A_207, %get3A_208, %get3A_209] : memref<13x1024x128xf32, #tpu.memory_space<vmem>>, vector<1x1024x128xf32>
    %get3A_211 = vector.shape_cast %get3A_210 : vector<1x1024x128xf32> to vector<1024x128xf32>
    %mul3A_212 = arith.mulf %slice3A_8, %get3A_211 : vector<1024x128xf32>
    %add3A_213 = arith.addf %mul3A_206, %mul3A_212 : vector<1024x128xf32>
    %reduce_sum3A_214 = arith.constant dense<0.000000e+00> : vector<1024xf32>
    %reduce_sum3A_215 = vector.multi_reduction <add>, %add3A_213, %reduce_sum3A_214 [1] : vector<1024x128xf32> to vector<1024xf32>
    %add3A_216 = arith.addf %reduce_sum3A_215, %add3A_60 : vector<1024xf32>
    %neg3A_217 = arith.constant 0.000000e+00 : f32
    %neg3A_218 = vector.broadcast %neg3A_217 : f32 to vector<1024xf32>
    %neg3A_219 = arith.subf %neg3A_218, %add3A_216 : vector<1024xf32>
    %min3A_220 = arith.constant 0.000000e+00 : f32
    %min3A_221 = vector.broadcast %min3A_220 : f32 to vector<1024xf32>
    %min3A_222 = arith.minimumf %neg3A_219, %min3A_221 : vector<1024xf32>
    %abs3A_223 = math.absf %neg3A_219 : vector<1024xf32>
    %neg3A_224 = arith.constant 0.000000e+00 : f32
    %neg3A_225 = vector.broadcast %neg3A_224 : f32 to vector<1024xf32>
    %neg3A_226 = arith.subf %neg3A_225, %abs3A_223 : vector<1024xf32>
    %exp3A_227 = math.exp %neg3A_226 : vector<1024xf32>
    %log1p3A_228 = math.log1p %exp3A_227 : vector<1024xf32>
    %sub3A_229 = arith.subf %min3A_222, %log1p3A_228 : vector<1024xf32>
    %reduce_sum3A_230 = vector.shape_cast %sub3A_229 : vector<1024xf32> to vector<1x1024xf32>
    %reduce_sum3A_231 = arith.constant dense<0.000000e+00> : vector<1xf32>
    %reduce_sum3A_232 = vector.multi_reduction <add>, %reduce_sum3A_230, %reduce_sum3A_231 [1] : vector<1x1024xf32> to vector<1xf32>
    %reduce_sum3A_233 = vector.shape_cast %reduce_sum3A_232 : vector<1xf32> to vector<1x1xf32>
    %reduce_sum3A_234 = vector.extract %reduce_sum3A_233[0, 0] : f32 from vector<1x1xf32>
    %sub3A_235 = arith.subf %sub3A_200, %reduce_sum3A_234 : f32
    %eq3A = arith.constant 0 : i32
    %eq3A_236 = arith.cmpi eq, %arg0, %eq3A : i32
    %convert_element_type3A = arith.extui %eq3A_236 : i1 to i32
    %cond3A = arith.constant 0 : i32
    %cond3A_237 = arith.cmpi ne, %convert_element_type3A, %cond3A : i32
    scf.if %cond3A_237 {
      %swap3A = arith.constant 0 : index
      %swap3A_242 = arith.constant 0 : index
      %swap3A_243 = memref.load %arg6[%swap3A, %swap3A_242] : memref<1x1xf32, #tpu.memory_space<smem>>
      memref.store %sub3A_235, %arg6[%swap3A, %swap3A_242] : memref<1x1xf32, #tpu.memory_space<smem>>
    } else {
    }
    %gt3A = arith.constant 0 : i32
    %gt3A_238 = arith.cmpi sgt, %arg0, %gt3A : i32
    %convert_element_type3A_239 = arith.extui %gt3A_238 : i1 to i32
    %cond3A_240 = arith.constant 0 : i32
    %cond3A_241 = arith.cmpi ne, %convert_element_type3A_239, %cond3A_240 : i32
    scf.if %cond3A_241 {
      %get3A_242 = arith.constant 0 : index
      %get3A_243 = arith.constant 0 : index
      %get3A_244 = memref.load %arg6[%get3A_242, %get3A_243] : memref<1x1xf32, #tpu.memory_space<smem>>
      %add3A_245 = arith.addf %get3A_244, %sub3A_235 : f32
      %swap3A = arith.constant 0 : index
      %swap3A_246 = arith.constant 0 : index
      %swap3A_247 = memref.load %arg6[%swap3A, %swap3A_246] : memref<1x1xf32, #tpu.memory_space<smem>>
      memref.store %add3A_245, %arg6[%swap3A, %swap3A_246] : memref<1x1xf32, #tpu.memory_space<smem>>
    } else {
    }
    return
  }
  func.func @transform_0(%arg0: i32) -> (i32, i32, i32) {
    %c0_i32 = arith.constant 0 : i32
    %c0_i32_0 = arith.constant 0 : i32
    %c0_i32_1 = arith.constant 0 : i32
    return %c0_i32, %arg0, %c0_i32_0 : i32, i32, i32
  }
  func.func @transform_1(%arg0: i32) -> (i32, i32) {
    %c0_i32 = arith.constant 0 : i32
    %c0_i32_0 = arith.constant 0 : i32
    %c0_i32_1 = arith.constant 0 : i32
    return %c0_i32, %c0_i32_0 : i32, i32
  }
  func.func @transform_2(%arg0: i32) -> (i32, i32) {
    %c0_i32 = arith.constant 0 : i32
    %c0_i32_0 = arith.constant 0 : i32
    %c0_i32_1 = arith.constant 0 : i32
    return %c0_i32, %c0_i32_0 : i32, i32
  }
  func.func @transform_3(%arg0: i32) -> (i32, i32) {
    %c0_i32 = arith.constant 0 : i32
    %c0_i32_0 = arith.constant 0 : i32
    %c0_i32_1 = arith.constant 0 : i32
    return %c0_i32, %c0_i32_0 : i32, i32
  }
  func.func @transform_4(%arg0: i32) -> (i32, i32) {
    %c0_i32 = arith.constant 0 : i32
    %c0_i32_0 = arith.constant 0 : i32
    %c0_i32_1 = arith.constant 0 : i32
    return %c0_i32, %c0_i32_0 : i32, i32
  }
  func.func @transform_5(%arg0: i32) -> (i32, i32) {
    %c0_i32 = arith.constant 0 : i32
    %c0_i32_0 = arith.constant 0 : i32
    %c0_i32_1 = arith.constant 0 : i32
    return %c0_i32, %c0_i32_0 : i32, i32
  }
}

</mosaic_0001>

<sc_bundles>
// kernel: kernel.4.cloned.1.call-start
scs
__scs_entry_jumppad:
0x0: {  	(pc) =	sbr.rel $0x88, $3  }
0x1: {  	(tag) =	ssettag $0x0;
	lr =	simm.s32 $0x1  }
0x2: {  	[smem:$0x3F97] =	sst lr;
	_ =	strace $0xD0000000  }
0x3: {  	_ = 	snop  }
0x4: {  	_ = 	snop  }
0x5: {  	_ = 	snop  }
0x6: {  	_ = 	snop  }
0x7: {  	_ = 	snop  }
__scs_overlays_trampoline_lowered:
0x8: {  	[smem:$0x3FA6] =	sst s0  }
0x9: {  	[smem:$0x3FA7] =	sst s1  }
0xa: {  	[smem:$0x3FA8] =	sst s2  }
0xb: {  	[smem:$0x3FA9] =	sst s3  }
0xc: {  	[smem:$0x3FAA] =	sst s4  }
0xd: {  	[smem:$0x3FAB] =	sst s5  }
0xe: {  	[smem:$0x3FAC] =	sst s6  }
0xf: {  	[smem:$0x3FAD] =	sst s7  }
0x10: {  	[smem:$0x3FAE] =	sst s8  }
0x11: {  	[smem:$0x3FAF] =	sst s9;
	s0 =	simm.s32 @!p0 $0x0  }
0x12: {  	s1 =	sld [smem:$0x3F95];
	s0 =	simm.s32 @p0 $0x1  }
0x13: {  	[smem:$0x3FB0] =	sst s0;
	s0 =	simm.s32 @!p1 $0x0  }
0x14: {  	s2 =	sld [smem:$0x3F94];
	s0 =	simm.s32 @p1 $0x1  }
0x15: {  	[smem:$0x3FB1] =	sst s0;
	s0 =	simm.s32 @!p2 $0x0  }
0x16: {  	s3 =	sld [smem:$0x3FDB];
	s0 =	simm.s32 @p2 $0x1  }
0x17: {  	s4 =	simm.s32 $0x1BF5;
	[smem:$0x3FB3] =	sst s0  }
0x18: {  	s0 =	sld [smem:$0x3F96];
	_ =	swait.ge [sflag:s4], $0x0  }
0x19: {  	s7 =	sld [smem:$0x3F97]  }
0x1a: {  	s8 =	sadd.s32 $0xFFFFE003, lr  }
0x1b: {  	s9 =	sadd.s32 $0xFFFFFEF7, lr;
	s5 =	simm.s32 $0xFFFFFFFF;
	p2 =	slt.u32 s8, $0xFFFFF086  }
0x1c: {  	p1 =	slt.u32 s9, $0xF7A;
	s5 =	simm.s32 @!p2 $0x0  }
0x1d: {  	s5 =	simm.s32 @p1 $0x1;
	p0 =	seq.s32 s7, s2  }
0x1e: {  	s7 =	smul.u32 @!p0 $0xF7A, s2;
	p2 =	seq.s32 @!p0 s5, $0x0  }
0x1f: {  	s9 =	smul.u32 $0xF7A, s1;
	s8 =	simm.s32 @!p0 $0x1BF5;
	p2 =	por !p2, p0  }
0x20: {  	[sflag:s8] =	ssyncset.s32 @!p0 $0xFFFFF086;
	s6 =	sadd.s32 @!p0 s3, s7;
	s7 =	simm.s32 @!p0 $0x108  }
0x21: {  	s3 =	sadd.s32 s3, s9;
	s6 =	sadd.s32 @!p0 $0x88, s6;
	s7 =	simm.s32 @p2 $0x1082  }
0x22: {  	[simem:s7], [sflag:s8] =	dma.local @!p0 [hbm:s6], $0xF7A  }
0x23: {  	s9 =	sor.u32 $0xD0000000, s2;
	s6 =	simm.s32 $0x108;
	_ =	swait.ge @!p0 [sflag:s8], $0x0  }
0x24: {  	s3 =	sadd.s32 $0x88, s3;
	s6 =	simm.s32 @!p1 $0x1082;
	[sflag:s4] =	ssyncset.s32 $0xFFFFF086  }
0x25: {  	[simem:s6], [sflag:s4] =	dma.local [hbm:s3], $0xF7A  }
0x26: {  	[smem:$0x3F97] =	sst s1;
	(tag) =	ssettag s2;
	_ =	strace s9  }
0x27: {  	s1 =	sld [smem:$0x3FA7]  }
0x28: {  	s2 =	sld [smem:$0x3FA8]  }
0x29: {  	s4 =	sld [smem:$0x3FAA]  }
0x2a: {  	p0 =	seq.s32 s5, $0x0;
	s5 =	sld [smem:$0x3FAB]  }
0x2b: {  	s6 =	sld [smem:$0x3FAC]  }
0x2c: {  	s7 =	sld [smem:$0x3FAD]  }
0x2d: {  	s3 =	simm.s32 $0x108;
	s8 =	sld [smem:$0x3FAE]  }
0x2e: {  	s3 =	simm.s32 @!p0 $0x1082;
	s9 =	sld [smem:$0x3FAF]  }
0x2f: {  	lr =	sadd.s32 s0, s3;
	s0 =	sld [smem:$0x3FA6]  }
0x30: {  	s3 =	sld [smem:$0x3FA9]  }
0x31: {  	[smem:$0x3FB2] =	sst s10  }
0x32: {  	s10 =	sld [smem:$0x3FB0];
	_ =	sdelay $0x3  }
0x33: {  	p0 =	seq.s32 s10, $0x1;
	s10 =	sld [smem:$0x3FB2];
	_ =	sdelay $0x3  }
0x34: {  	[smem:$0x3FB2] =	sst s10  }
0x35: {  	s10 =	sld [smem:$0x3FB1];
	_ =	sdelay $0x3  }
0x36: {  	p1 =	seq.s32 s10, $0x1;
	s10 =	sld [smem:$0x3FB2];
	_ =	sdelay $0x3  }
0x37: {  	[smem:$0x3FB2] =	sst s10  }
0x38: {  	s10 =	sld [smem:$0x3FB3]  }
0x39: {  	_ = 	snop;
	(pc) =	sbr.ind lr, $3  }
0x3a: {  	_ = 	snop  }
0x3b: {  	_ = 	snop  }
0x3c: {  	p2 =	seq.s32 s10, $0x1;
	s10 =	sld [smem:$0x3FB2]  }
0x3d: {  	_ =	shalt  }
0x3e: {  	_ =	shalt  }
0x3f: {  	_ =	shalt  }
0x40: {  	_ =	shalt  }
0x41: {  	_ =	shalt  }
0x42: {  	_ =	shalt  }
0x43: {  	_ =	shalt  }
0x44: {  	_ =	shalt  }
0x45: {  	_ =	shalt  }
0x46: {  	_ =	shalt  }
0x47: {  	_ =	shalt  }
0x48: {  	_ =	shalt  }
0x49: {  	_ =	shalt  }
0x4a: {  	_ =	shalt  }
0x4b: {  	_ =	shalt  }
0x4c: {  	_ =	shalt  }
0x4d: {  	_ =	shalt  }
0x4e: {  	_ =	shalt  }
0x4f: {  	_ =	shalt  }
0x50: {  	_ =	shalt  }
0x51: {  	_ =	shalt  }
0x52: {  	_ =	shalt  }
0x53: {  	_ =	shalt  }
0x54: {  	_ =	shalt  }
0x55: {  	_ =	shalt  }
0x56: {  	_ =	shalt  }
0x57: {  	_ =	shalt  }
0x58: {  	_ =	shalt  }
0x59: {  	_ =	shalt  }
0x5a: {  	_ =	shalt  }
0x5b: {  	_ =	shalt  }
0x5c: {  	_ =	shalt  }
0x5d: {  	_ =	shalt  }
0x5e: {  	_ =	shalt  }
0x5f: {  	_ =	shalt  }
0x60: {  	_ =	shalt  }
0x61: {  	_ =	shalt  }
0x62: {  	_ =	shalt  }
0x63: {  	_ =	shalt  }
0x64: {  	_ =	shalt  }
0x65: {  	_ =	shalt  }
0x66: {  	_ =	shalt  }
0x67: {  	_ =	shalt  }
0x68: {  	_ =	shalt  }
0x69: {  	_ =	shalt  }
0x6a: {  	_ =	shalt  }
0x6b: {  	_ =	shalt  }
0x6c: {  	_ =	shalt  }
0x6d: {  	_ =	shalt  }
0x6e: {  	_ =	shalt  }
0x6f: {  	_ =	shalt  }
0x70: {  	_ =	shalt  }
0x71: {  	_ =	shalt  }
0x72: {  	_ =	shalt  }
0x73: {  	_ =	shalt  }
0x74: {  	_ =	shalt  }
0x75: {  	_ =	shalt  }
0x76: {  	_ =	shalt  }
0x77: {  	_ =	shalt  }
0x78: {  	_ =	shalt  }
0x79: {  	_ =	shalt  }
0x7a: {  	_ =	shalt  }
0x7b: {  	_ =	shalt  }
0x7c: {  	_ =	shalt  }
0x7d: {  	_ =	shalt  }
0x7e: {  	_ =	shalt  }
0x7f: {  	_ =	shalt  }
0x80: {  	_ =	shalt  }
0x81: {  	_ =	shalt  }
0x82: {  	_ =	shalt  }
0x83: {  	_ =	shalt  }
0x84: {  	_ =	shalt  }
0x85: {  	_ =	shalt  }
0x86: {  	_ =	shalt  }
0x87: {  	_ =	shalt  }
.Lfunc_end0:
.L_simem_size_0:
called_computation_lowered:
.L_overlay_start_0:
0x88: {  	s2 =	sld [smem:$0x3FD9]  }
0x89: {  	s3 =	sld [smem:$0x3FFE];
	_ =	sdelay $0x1  }
0x8a: {  	s1 =	srdreg.scid  }
0x8b: {  	s0 =	sand.u32 $0x1, s1  }
0x8c: {  	s17 =	sshll.u32 s0, $0xA;
	s2 =	sadd.s32 s3, s2  }
0x8d: {  	s2 =	sadd.s32 s2, s17  }
0x8e: {  	[smem:$0x3FBE] =	sst s2  }
0x8f: {  	_ = 	snop  }
0x90: {  	s2 =	sld [smem:$0x3FC6]  }
0x91: {  	s18 =	sld [smem:$0x3FC5]  }
0x92: {  	s4 =	sld [smem:$0x3FC4];
	(tm) =	ssettm $0x1  }
0x93: {  	s5 =	sld [smem:$0x3FFB];
	_ =	sdelay $0x3  }
0x94: {  	_ =	strace s5  }
0x95: {  	s5 =	sld [smem:$0x3FFC];
	_ =	sdelay $0x3  }
0x96: {  	_ =	strace s5  }
0x97: {  	s5 =	sld [smem:$0x3FFD];
	_ =	sdelay $0x3  }
0x98: {  	_ =	strace s5  }
0x99: {  	_ =	strace $0x8FFFFFFF  }
0x9a: {  	s19 =	sld [smem:$0x3FDB];
	_ =	sdelay $0x1  }
0x9b: {  	s6 =	simm.s32 $_scs_section_size  }
0x9c: {  	s7 =	simm.s32 $_size__tile_overlayer_lowered;
	s8 =	simm.s32 $_tile_overlayer_lowered  }
0x9d: {  	s22 =	simm.s32 $0x1BFF;
	s21 =	sshll.u32 s8, $0x1;
	s5 =	sadd.s32 s6, s19  }
0x9e: {  	s9 =	simm.s32 $0x0;
	s20 =	sshll.u32 s7, $0x1;
	s7 =	sadd.s32 s21, s5  }
0x9f: {  	[timem:s9], [sflag:s22] =	dma.local [hbm:s7], s20  }
0xa0: {  	_ =	swait.ge [sflag:s22], s20  }
0xa1: {  	s6 =	ssub.s32 $0x0, s20;
	[sflag:s22] =	ssyncset.done $0x0  }
0xa2: {  	[sflag:s22] =	ssyncadd.s32 s6;
	_ =	sdelay $0x1  }
0xa3: {  	s23 =	simm.s32 $0x1B8B  }
0xa4: {  	_ =	swait.ge [sflag:s23], $0x1  }
0xa5: {  	[sflag:s23] =	ssyncset.done $0x0  }
0xa6: {  	s25 =	simm.s32 $0x1B8E;
	s24 =	sld [smem:$0x3FFE];
	[sflag:s23] =	ssyncadd.s32 $0xFFFFFFFF  }
0xa7: {  	s26 =	simm.s32 $execute0_lowered;
	[smem:$0x3FD2] =	sst s25  }
0xa8: {  	s7 =	sshll.u32 s26, $0x1;
	_ =	strace $0x80000046;
	[dreg:$0x1] =	wrdreg $0xFFFFFFFF  }
0xa9: {  	s28 =	simm.s32 $_size_execute0_lowered;
	s5 =	sadd.s32 s5, s7;
	[dreg:$0x0] =	wrdreg $0x0  }
0xaa: {  	s7 =	sshll.u32 s28, $0x1;
	[dreg:$0x2] =	wrdreg s5  }
0xab: {  	[dreg:$0x3] =	wrdreg s7  }
0xac: {  	[dreg:$0x4] =	wrdreg $0xC0  }
0xad: {  	_ =	task [dreg:s9], $0x5FFFF  }
0xae: {  	[dreg:$0x1] =	wrdreg $0xFFFFFFFF  }
0xaf: {  	[dreg:$0x0] =	wrdreg $0x60  }
0xb0: {  	[dreg:$0x2] =	wrdreg s24  }
0xb1: {  	[dreg:$0x3] =	wrdreg s2  }
0xb2: {  	[dreg:$0x4] =	wrdreg s18  }
0xb3: {  	[dreg:$0x5] =	wrdreg s4  }
0xb4: {  	[dreg:$0x6] =	wrdreg $0x9  }
0xb5: {  	_ =	task.clear_ibuf [dreg:s9], $0x7FFFF;
	_ =	strace $0x90000046  }
0xb6: {  	s29 =	simm.s32 $0x9;
	_ =	strace $0x80000048  }
0xb7: {  	_ =	swait.ge [sflag:s29], $0x1  }
0xb8: {  	[sflag:s29] =	ssyncadd.s32 $0xFFFFFFFF  }
0xb9: {  	_ =	strace $0x90000048  }
0xba: {  	_ =	sfence  }
0xbb: {  	s30 =	sld [smem:$0x0];
	_ =	sdelay $0x2  }
0xbc: {  	s31 =	sshll.u32 s1, $0xD;
	s1 =	sshrl.u32 s1, $0x2  }
0xbd: {  	s3 =	sand.u32 $0x4000, s31;
	s1 =	sadd.s32 s1, s30  }
0xbe: {  	s0 =	sor.u32 s3, s0;
	s1 =	sshll.u32 s1, $0x11  }
0xbf: {  	s0 =	sor.u32 s1, s0  }
0xc0: {  	s0 =	sadd.s32 $0x8F2B, s0  }
0xc1: {  	[sflag:s0] =	ssyncadd.remote.s32 $0x1  }
0xc2: {  	_ =	sfence.sel $0xFFFF  }
0xc3: {  	[dreg:$0x0] =	wrdreg $0xFFFFFFFF;
	(pc) =	sbr.abs _section_cstart, $3  }
0xc4: {  	[dreg:$0x1] =	wrdreg $0xFFFFFFFF  }
0xc5: {  	_ =	task.clear_ibuf [dreg:s9], $0x2FFFF;
	_ =	strace $0x9FFFFFFF  }
0xc6: {  	(tm) =	ssettm $0x7FFFFFFF  }
0xc7: {  	_ =	shalt  }
tec
execute0_lowered:
.L_overlay_start_1:
0x0: {  	(tag) =	ssettag $0x1  }
0x1: {  	s5 =	rddreg [dreg:$0x0]  }
0x2: {  	s0 =	rddreg [dreg:$0x1]  }
0x3: {  	s1 =	srdreg.scid;
	s18 =	stileid.u32  }
0x4: {  	s2 =	rddreg [dreg:$0x2];
	s1 =	sand.u32 $0x1, s1;
	s4 =	sshll.u32 s18, $0x1  }
0x5: {  	s3 =	rddreg [dreg:$0x3];
	s6 =	sor.u32 s1, s4  }
0x6: {  	[dreg:$0x5] =	wrdreg s0;
	s7 =	sshll.u32 s6, $0x7  }
0x7: {  	s4 =	simm.s32 $0x0;
	s6 =	sshll.u32 s6, $0xB;
	s7 =	sadd.s32 s7, s5  }
0x8: {  	[smem:$0x7FF] =	sst s4;
	s31 =	sadd.s32 s6, s5;
	s19 =	sadd.s32 $0xC00, s7  }
0x9: {  	_ =	strace $0x80000047;
	s20 =	sadd.s32 $0x1C00, s31;
	[dreg:$0x6] =	wrdreg s19  }
0xa: {  	s21 =	sadd.s32 $0x11C00, s31;
	[dreg:$0x7] =	wrdreg s20  }
0xb: {  	s22 =	sadd.s32 $0x21C00, s31;
	[dreg:$0x8] =	wrdreg s21  }
0xc: {  	s23 =	sadd.s32 $0x31C00, s31;
	[dreg:$0x9] =	wrdreg s22  }
0xd: {  	s24 =	sadd.s32 $0x41C00, s31;
	[dreg:$0xa] =	wrdreg s23  }
0xe: {  	s26 =	sadd.s32 $0x51C00, s31;
	[dreg:$0xb] =	wrdreg s24  }
0xf: {  	[dreg:$0xc] =	wrdreg s26  }
0x10: {  	s5 =	simm.s32 $0x9;
	s25 =	rddreg [dreg:$0x6]  }
0x11: {  	[tilespmem:s4], [sflag:$0x9] =	stream.linear.gather [hbm4b:s25+s4], $0x380, $0x38;
	[tilespmem:$0x10400] =	vst v63  }
0x12: {  	_ =	swait.ge [sflag:s5], $0x380  }
0x13: {  	s6 =	simm.s32 $0x80;
	[sflag:s5] =	ssyncset.done $0x0  }
0x14: {  	s7 =	simm.s32 $0x400;
	s8 =	rddreg [dreg:$0x5];
	[sflag:s5] =	ssyncadd.s32 $0xFFFFFC80  }
0x15: {  	[tilespmem:s7], [sflag:$0x1] =	stream.indirect.gather [hbm4b:s8+s6], $0x80, s4, s6, $0xb8;
	[tilespmem:$0x10400] =	vst v63  }
0x16: {  	s8 =	simm.s32 $0x4400  }
0x17: {  	[tilespmem:s8], [sflag:$0x2] =	stream.indirect.gather [hbm4b:s2+s6], $0x80, s6, s6, $0xb8;
	[tilespmem:$0x10400] =	vst v63  }
0x18: {  	s9 =	simm.s32 $0x8400  }
0x19: {  	[tilespmem:s9], [sflag:$0x3] =	stream.indirect.gather [hbm4b:s3+s6], $0x80, s6, s6, $0xb8;
	[tilespmem:$0x10400] =	vst v63  }
0x1a: {  	s10 =	simm.s32 $0x100;
	s11 =	simm.s32 $0xC400;
	s12 =	simm.s32 $0x1  }
0x1b: {  	[tilespmem:s11], [sflag:$0x4] =	stream.indirect.gather [hbm4b:s2+s6], $0x80, s10, s6, $0xb8;
	[tilespmem:$0x10400] =	vst v63  }
0x1c: {  	_ =	swait.ge [sflag:s12], $0x4000  }
0x1d: {  	[sflag:s12] =	ssyncset.done $0x0  }
0x1e: {  	s13 =	simm.s32 $0x2;
	s14 =	rddreg [dreg:$0x7];
	[sflag:s12] =	ssyncadd.s32 $0xFFFFC000  }
0x1f: {  	[hbm4b:s14+s4] =	stream.linear.scatter [tilespmem:s7], [sflag:$0x5], $0x4000, $0x38;
	[tilespmem:$0x10400] =	vst v63  }
0x20: {  	_ =	swait.ge [sflag:s13], $0x4000  }
0x21: {  	[sflag:s13] =	ssyncset.done $0x0  }
0x22: {  	s14 =	simm.s32 $0x3;
	s15 =	rddreg [dreg:$0x8];
	[sflag:s13] =	ssyncadd.s32 $0xFFFFC000  }
0x23: {  	[hbm4b:s15+s4] =	stream.linear.scatter [tilespmem:s8], [sflag:$0x6], $0x4000, $0x38;
	[tilespmem:$0x10400] =	vst v63  }
0x24: {  	_ =	swait.ge [sflag:s14], $0x4000  }
0x25: {  	[sflag:s14] =	ssyncset.done $0x0  }
0x26: {  	s15 =	simm.s32 $0x5;
	s16 =	rddreg [dreg:$0x9];
	[sflag:s14] =	ssyncadd.s32 $0xFFFFC000  }
0x27: {  	[hbm4b:s16+s4] =	stream.linear.scatter [tilespmem:s9], [sflag:$0x7], $0x4000, $0x38;
	[tilespmem:$0x10400] =	vst v63  }
0x28: {  	_ =	swait.ge [sflag:s15], $0x4000  }
0x29: {  	[sflag:s15] =	ssyncset.done $0x0  }
0x2a: {  	s17 =	simm.s32 $0x4;
	s16 =	simm.s32 $0x180;
	[sflag:s15] =	ssyncadd.s32 $0xFFFFC000  }
0x2b: {  	[tilespmem:s7], [sflag:$0x1] =	stream.indirect.gather [hbm4b:s2+s6], $0x80, s16, s6, $0xb8;
	[tilespmem:$0x10400] =	vst v63  }
0x2c: {  	_ =	swait.ge [sflag:s17], $0x4000  }
0x2d: {  	[sflag:s17] =	ssyncset.done $0x0  }
0x2e: {  	s18 =	simm.s32 $0x6;
	s19 =	rddreg [dreg:$0xa];
	[sflag:s17] =	ssyncadd.s32 $0xFFFFC000  }
0x2f: {  	[hbm4b:s19+s4] =	stream.linear.scatter [tilespmem:s11], [sflag:$0x8], $0x4000, $0x38;
	[tilespmem:$0x10400] =	vst v63  }
0x30: {  	_ =	swait.ge [sflag:s18], $0x4000  }
0x31: {  	[sflag:s18] =	ssyncset.done $0x0  }
0x32: {  	s19 =	simm.s32 $0x200;
	[sflag:s18] =	ssyncadd.s32 $0xFFFFC000  }
0x33: {  	[tilespmem:s8], [sflag:$0x2] =	stream.indirect.gather [hbm4b:s2+s6], $0x80, s19, s6, $0xb8;
	[tilespmem:$0x10400] =	vst v63  }
0x34: {  	_ =	swait.ge [sflag:s12], $0x4000  }
0x35: {  	[sflag:s12] =	ssyncset.done $0x0  }
0x36: {  	s20 =	simm.s32 $0x7;
	s21 =	rddreg [dreg:$0xb];
	[sflag:s12] =	ssyncadd.s32 $0xFFFFC000  }
0x37: {  	[hbm4b:s21+s4] =	stream.linear.scatter [tilespmem:s7], [sflag:$0x5], $0x4000, $0x38;
	[tilespmem:$0x10400] =	vst v63  }
0x38: {  	_ =	swait.ge [sflag:s20], $0x4000  }
0x39: {  	[sflag:s20] =	ssyncset.done $0x0  }
0x3a: {  	s21 =	simm.s32 $0x280;
	[sflag:s20] =	ssyncadd.s32 $0xFFFFC000  }
0x3b: {  	[tilespmem:s9], [sflag:$0x3] =	stream.indirect.gather [hbm4b:s2+s6], $0x80, s21, s6, $0xb8;
	[tilespmem:$0x10400] =	vst v63  }
0x3c: {  	_ =	swait.ge [sflag:s13], $0x4000  }
0x3d: {  	[sflag:s13] =	ssyncset.done $0x0  }
0x3e: {  	s22 =	simm.s32 $0x8;
	s23 =	rddreg [dreg:$0xc];
	[sflag:s13] =	ssyncadd.s32 $0xFFFFC000  }
0x3f: {  	[hbm4b:s23+s4] =	stream.linear.scatter [tilespmem:s8], [sflag:$0x6], $0x4000, $0x38;
	[tilespmem:$0x10400] =	vst v63  }
0x40: {  	_ =	swait.ge [sflag:s22], $0x4000  }
0x41: {  	[sflag:s22] =	ssyncset.done $0x0  }
0x42: {  	s23 =	simm.s32 $0x300;
	[sflag:s22] =	ssyncadd.s32 $0xFFFFC000  }
0x43: {  	[tilespmem:s11], [sflag:$0x4] =	stream.indirect.gather [hbm4b:s2+s6], $0x80, s23, s6, $0xb8;
	[tilespmem:$0x10400] =	vst v63  }
0x44: {  	_ =	swait.ge [sflag:s14], $0x4000  }
0x45: {  	[sflag:s14] =	ssyncset.done $0x0  }
0x46: {  	s24 =	sadd.s32 $0x61C00, s31;
	[sflag:s14] =	ssyncadd.s32 $0xFFFFC000  }
0x47: {  	[hbm4b:s24+s4] =	stream.linear.scatter [tilespmem:s9], [sflag:$0x7], $0x4000, $0x38;
	[tilespmem:$0x10400] =	vst v63  }
0x48: {  	_ =	swait.ge [sflag:s15], $0x4000  }
0x49: {  	[sflag:s15] =	ssyncset.done $0x0  }
0x4a: {  	[sflag:s15] =	ssyncadd.s32 $0xFFFFC000  }
0x4b: {  	[tilespmem:s7], [sflag:$0x1] =	stream.indirect.gather [hbm4b:s3+s6], $0x80, s10, s6, $0xb8;
	[tilespmem:$0x10400] =	vst v63  }
0x4c: {  	_ =	swait.ge [sflag:s17], $0x4000  }
0x4d: {  	[sflag:s17] =	ssyncset.done $0x0  }
0x4e: {  	s25 =	sadd.s32 $0x71C00, s31;
	[sflag:s17] =	ssyncadd.s32 $0xFFFFC000  }
0x4f: {  	[hbm4b:s25+s4] =	stream.linear.scatter [tilespmem:s11], [sflag:$0x8], $0x4000, $0x38;
	[tilespmem:$0x10400] =	vst v63  }
0x50: {  	_ =	swait.ge [sflag:s18], $0x4000  }
0x51: {  	[sflag:s18] =	ssyncset.done $0x0  }
0x52: {  	[sflag:s18] =	ssyncadd.s32 $0xFFFFC000  }
0x53: {  	[tilespmem:s8], [sflag:$0x2] =	stream.indirect.gather [hbm4b:s3+s6], $0x80, s16, s6, $0xb8;
	[tilespmem:$0x10400] =	vst v63  }
0x54: {  	_ =	swait.ge [sflag:s12], $0x4000  }
0x55: {  	[sflag:s12] =	ssyncset.done $0x0  }
0x56: {  	s26 =	sadd.s32 $0x81C00, s31;
	[sflag:s12] =	ssyncadd.s32 $0xFFFFC000  }
0x57: {  	[hbm4b:s26+s4] =	stream.linear.scatter [tilespmem:s7], [sflag:$0x5], $0x4000, $0x38;
	[tilespmem:$0x10400] =	vst v63  }
0x58: {  	_ =	swait.ge [sflag:s20], $0x4000  }
0x59: {  	[sflag:s20] =	ssyncset.done $0x0  }
0x5a: {  	[sflag:s20] =	ssyncadd.s32 $0xFFFFC000  }
0x5b: {  	[tilespmem:s9], [sflag:$0x3] =	stream.indirect.gather [hbm4b:s3+s6], $0x80, s19, s6, $0xb8;
	[tilespmem:$0x10400] =	vst v63  }
0x5c: {  	_ =	swait.ge [sflag:s13], $0x4000  }
0x5d: {  	[sflag:s13] =	ssyncset.done $0x0  }
0x5e: {  	s28 =	sadd.s32 $0x91C00, s31;
	[sflag:s13] =	ssyncadd.s32 $0xFFFFC000  }
0x5f: {  	[hbm4b:s28+s4] =	stream.linear.scatter [tilespmem:s8], [sflag:$0x6], $0x4000, $0x38;
	[tilespmem:$0x10400] =	vst v63  }
0x60: {  	_ =	swait.ge [sflag:s22], $0x4000  }
0x61: {  	[sflag:s22] =	ssyncset.done $0x0  }
0x62: {  	[sflag:s22] =	ssyncadd.s32 $0xFFFFC000  }
0x63: {  	[tilespmem:s11], [sflag:$0x4] =	stream.indirect.gather [hbm4b:s3+s6], $0x80, s21, s6, $0xb8;
	[tilespmem:$0x10400] =	vst v63  }
0x64: {  	_ =	swait.ge [sflag:s14], $0x4000  }
0x65: {  	[sflag:s14] =	ssyncset.done $0x0  }
0x66: {  	s29 =	sadd.s32 $0xA1C00, s31;
	[sflag:s14] =	ssyncadd.s32 $0xFFFFC000  }
0x67: {  	[hbm4b:s29+s4] =	stream.linear.scatter [tilespmem:s9], [sflag:$0x7], $0x4000, $0x38;
	[tilespmem:$0x10400] =	vst v63  }
0x68: {  	_ =	swait.ge [sflag:s15], $0x4000  }
0x69: {  	[sflag:s15] =	ssyncset.done $0x0  }
0x6a: {  	[sflag:s15] =	ssyncadd.s32 $0xFFFFC000  }
0x6b: {  	[tilespmem:s7], [sflag:$0x1] =	stream.indirect.gather [hbm4b:s3+s6], $0x80, s23, s6, $0xb8;
	[tilespmem:$0x10400] =	vst v63  }
0x6c: {  	_ =	swait.ge [sflag:s17], $0x4000  }
0x6d: {  	[sflag:s17] =	ssyncset.done $0x0  }
0x6e: {  	s30 =	sadd.s32 $0xB1C00, s31;
	[sflag:s17] =	ssyncadd.s32 $0xFFFFC000  }
0x6f: {  	[hbm4b:s30+s4] =	stream.linear.scatter [tilespmem:s11], [sflag:$0x8], $0x4000, $0x38;
	[tilespmem:$0x10400] =	vst v63  }
0x70: {  	_ =	swait.ge [sflag:s12], $0x4000  }
0x71: {  	[sflag:s12] =	ssyncset.done $0x0  }
0x72: {  	s31 =	sadd.s32 $0xC1C00, s31;
	[sflag:s12] =	ssyncadd.s32 $0xFFFFC000  }
0x73: {  	[hbm4b:s31+s4] =	stream.linear.scatter [tilespmem:s7], [sflag:$0x5], $0x4000, $0x38;
	[tilespmem:$0x10400] =	vst v63  }
0x74: {  	s1 =	ssub.s32 $0x2, s1;
	_ =	swait.ge [sflag:s22], $0x4000  }
0x75: {  	s0 =	sshrl.u32 s1, $0x1;
	[sflag:s22] =	ssyncset.done $0x0  }
0x76: {  	s0 =	ssub.s32 s1, s0;
	[sflag:s22] =	ssyncadd.s32 $0xFFFFC000  }
0x77: {  	s0 =	smax.u32 s0, $0x1;
	_ =	swait.ge [sflag:s15], $0x4000  }
0x78: {  	p0 =	sne.s32 s0, $0x1;
	[sflag:s15] =	ssyncset.done $0x0  }
.Ltmp0:
0x79: {  	[sflag:s15] =	ssyncadd.s32 $0xFFFFC000;
	(pc) =	sbr.rel @!p0 .LBB2_2-.Ltmp0, $4  }
0x7a: {  	_ =	swait.ge [sflag:s18], $0x4000  }
0x7b: {  	[sflag:s18] =	ssyncset.done $0x0  }
0x7c: {  	[sflag:s18] =	ssyncadd.s32 $0xFFFFC000  }
0x7d: {  	s1 =	sadd.s32 $0xFFFFFFFF, s0;
	_ =	swait.ge [sflag:s20], $0x4000  }
.LBB2_1:
0x7e: {  	[sflag:s20] =	ssyncset.done $0x0  }
0x7f: {  	s0 =	rddreg [dreg:$0x6];
	[sflag:s20] =	ssyncadd.s32 $0xFFFFC000  }
0x80: {  	[tilespmem:s4], [sflag:$0x9] =	stream.linear.gather [hbm4b:s0+s4], $0x380, $0x38;
	[tilespmem:$0x10400] =	vst v63  }
0x81: {  	_ =	swait.ge [sflag:s5], $0x380  }
0x82: {  	[sflag:s5] =	ssyncset.done $0x0  }
0x83: {  	s0 =	rddreg [dreg:$0x5];
	[sflag:s5] =	ssyncadd.s32 $0xFFFFFC80  }
0x84: {  	[tilespmem:s7], [sflag:$0x1] =	stream.indirect.gather [hbm4b:s0+s6], $0x80, s4, s6, $0xb8;
	[tilespmem:$0x10400] =	vst v63  }
0x85: {  	_ = 	snop  }
0x86: {  	[tilespmem:s8], [sflag:$0x2] =	stream.indirect.gather [hbm4b:s2+s6], $0x80, s6, s6, $0xb8;
	[tilespmem:$0x10400] =	vst v63  }
0x87: {  	_ = 	snop  }
0x88: {  	[tilespmem:s9], [sflag:$0x3] =	stream.indirect.gather [hbm4b:s3+s6], $0x80, s6, s6, $0xb8;
	[tilespmem:$0x10400] =	vst v63  }
0x89: {  	_ = 	snop  }
0x8a: {  	[tilespmem:s11], [sflag:$0x4] =	stream.indirect.gather [hbm4b:s2+s6], $0x80, s10, s6, $0xb8;
	[tilespmem:$0x10400] =	vst v63  }
0x8b: {  	_ =	swait.ge [sflag:s12], $0x4000  }
0x8c: {  	[sflag:s12] =	ssyncset.done $0x0  }
0x8d: {  	s0 =	rddreg [dreg:$0x7];
	[sflag:s12] =	ssyncadd.s32 $0xFFFFC000  }
0x8e: {  	[hbm4b:s0+s4] =	stream.linear.scatter [tilespmem:s7], [sflag:$0x5], $0x4000, $0x38;
	[tilespmem:$0x10400] =	vst v63  }
0x8f: {  	_ =	swait.ge [sflag:s13], $0x4000  }
0x90: {  	[sflag:s13] =	ssyncset.done $0x0  }
0x91: {  	s0 =	rddreg [dreg:$0x8];
	[sflag:s13] =	ssyncadd.s32 $0xFFFFC000  }
0x92: {  	[hbm4b:s0+s4] =	stream.linear.scatter [tilespmem:s8], [sflag:$0x6], $0x4000, $0x38;
	[tilespmem:$0x10400] =	vst v63  }
0x93: {  	_ =	swait.ge [sflag:s14], $0x4000  }
0x94: {  	[sflag:s14] =	ssyncset.done $0x0  }
0x95: {  	s0 =	rddreg [dreg:$0x9];
	[sflag:s14] =	ssyncadd.s32 $0xFFFFC000  }
0x96: {  	[hbm4b:s0+s4] =	stream.linear.scatter [tilespmem:s9], [sflag:$0x7], $0x4000, $0x38;
	[tilespmem:$0x10400] =	vst v63  }
0x97: {  	_ =	swait.ge [sflag:s15], $0x4000  }
0x98: {  	[sflag:s15] =	ssyncset.done $0x0  }
0x99: {  	[sflag:s15] =	ssyncadd.s32 $0xFFFFC000  }
0x9a: {  	[tilespmem:s7], [sflag:$0x1] =	stream.indirect.gather [hbm4b:s2+s6], $0x80, s16, s6, $0xb8;
	[tilespmem:$0x10400] =	vst v63  }
0x9b: {  	_ =	swait.ge [sflag:s17], $0x4000  }
0x9c: {  	[sflag:s17] =	ssyncset.done $0x0  }
0x9d: {  	s0 =	rddreg [dreg:$0xa];
	[sflag:s17] =	ssyncadd.s32 $0xFFFFC000  }
0x9e: {  	[hbm4b:s0+s4] =	stream.linear.scatter [tilespmem:s11], [sflag:$0x8], $0x4000, $0x38;
	[tilespmem:$0x10400] =	vst v63  }
0x9f: {  	_ =	swait.ge [sflag:s18], $0x4000  }
0xa0: {  	[sflag:s18] =	ssyncset.done $0x0  }
0xa1: {  	[sflag:s18] =	ssyncadd.s32 $0xFFFFC000  }
0xa2: {  	[tilespmem:s8], [sflag:$0x2] =	stream.indirect.gather [hbm4b:s2+s6], $0x80, s19, s6, $0xb8;
	[tilespmem:$0x10400] =	vst v63  }
0xa3: {  	_ =	swait.ge [sflag:s12], $0x4000  }
0xa4: {  	[sflag:s12] =	ssyncset.done $0x0  }
0xa5: {  	s0 =	rddreg [dreg:$0xb];
	[sflag:s12] =	ssyncadd.s32 $0xFFFFC000  }
0xa6: {  	[hbm4b:s0+s4] =	stream.linear.scatter [tilespmem:s7], [sflag:$0x5], $0x4000, $0x38;
	[tilespmem:$0x10400] =	vst v63  }
0xa7: {  	_ =	swait.ge [sflag:s20], $0x4000  }
0xa8: {  	[sflag:s20] =	ssyncset.done $0x0  }
0xa9: {  	[sflag:s20] =	ssyncadd.s32 $0xFFFFC000  }
0xaa: {  	[tilespmem:s9], [sflag:$0x3] =	stream.indirect.gather [hbm4b:s2+s6], $0x80, s21, s6, $0xb8;
	[tilespmem:$0x10400] =	vst v63  }
0xab: {  	_ =	swait.ge [sflag:s13], $0x4000  }
0xac: {  	[sflag:s13] =	ssyncset.done $0x0  }
0xad: {  	s0 =	rddreg [dreg:$0xc];
	[sflag:s13] =	ssyncadd.s32 $0xFFFFC000  }
0xae: {  	[hbm4b:s0+s4] =	stream.linear.scatter [tilespmem:s8], [sflag:$0x6], $0x4000, $0x38;
	[tilespmem:$0x10400] =	vst v63  }
0xaf: {  	_ =	swait.ge [sflag:s22], $0x4000  }
0xb0: {  	[sflag:s22] =	ssyncset.done $0x0  }
0xb1: {  	[sflag:s22] =	ssyncadd.s32 $0xFFFFC000  }
0xb2: {  	[tilespmem:s11], [sflag:$0x4] =	stream.indirect.gather [hbm4b:s2+s6], $0x80, s23, s6, $0xb8;
	[tilespmem:$0x10400] =	vst v63  }
0xb3: {  	_ =	swait.ge [sflag:s14], $0x4000  }
0xb4: {  	[sflag:s14] =	ssyncset.done $0x0  }
0xb5: {  	[sflag:s14] =	ssyncadd.s32 $0xFFFFC000  }
0xb6: {  	[hbm4b:s24+s4] =	stream.linear.scatter [tilespmem:s9], [sflag:$0x7], $0x4000, $0x38;
	[tilespmem:$0x10400] =	vst v63  }
0xb7: {  	_ =	swait.ge [sflag:s15], $0x4000  }
0xb8: {  	[sflag:s15] =	ssyncset.done $0x0  }
0xb9: {  	[sflag:s15] =	ssyncadd.s32 $0xFFFFC000  }
0xba: {  	[tilespmem:s7], [sflag:$0x1] =	stream.indirect.gather [hbm4b:s3+s6], $0x80, s10, s6, $0xb8;
	[tilespmem:$0x10400] =	vst v63  }
0xbb: {  	_ =	swait.ge [sflag:s17], $0x4000  }
0xbc: {  	[sflag:s17] =	ssyncset.done $0x0  }
0xbd: {  	[sflag:s17] =	ssyncadd.s32 $0xFFFFC000  }
0xbe: {  	[hbm4b:s25+s4] =	stream.linear.scatter [tilespmem:s11], [sflag:$0x8], $0x4000, $0x38;
	[tilespmem:$0x10400] =	vst v63  }
0xbf: {  	_ =	swait.ge [sflag:s18], $0x4000  }
0xc0: {  	[sflag:s18] =	ssyncset.done $0x0  }
0xc1: {  	[sflag:s18] =	ssyncadd.s32 $0xFFFFC000  }
0xc2: {  	[tilespmem:s8], [sflag:$0x2] =	stream.indirect.gather [hbm4b:s3+s6], $0x80, s16, s6, $0xb8;
	[tilespmem:$0x10400] =	vst v63  }
0xc3: {  	_ =	swait.ge [sflag:s12], $0x4000  }
0xc4: {  	[sflag:s12] =	ssyncset.done $0x0  }
0xc5: {  	[sflag:s12] =	ssyncadd.s32 $0xFFFFC000  }
0xc6: {  	[hbm4b:s26+s4] =	stream.linear.scatter [tilespmem:s7], [sflag:$0x5], $0x4000, $0x38;
	[tilespmem:$0x10400] =	vst v63  }
0xc7: {  	_ =	swait.ge [sflag:s20], $0x4000  }
0xc8: {  	[sflag:s20] =	ssyncset.done $0x0  }
0xc9: {  	[sflag:s20] =	ssyncadd.s32 $0xFFFFC000  }
0xca: {  	[tilespmem:s9], [sflag:$0x3] =	stream.indirect.gather [hbm4b:s3+s6], $0x80, s19, s6, $0xb8;
	[tilespmem:$0x10400] =	vst v63  }
0xcb: {  	_ =	swait.ge [sflag:s13], $0x4000  }
0xcc: {  	[sflag:s13] =	ssyncset.done $0x0  }
0xcd: {  	[sflag:s13] =	ssyncadd.s32 $0xFFFFC000  }
0xce: {  	[hbm4b:s28+s4] =	stream.linear.scatter [tilespmem:s8], [sflag:$0x6], $0x4000, $0x38;
	[tilespmem:$0x10400] =	vst v63  }
0xcf: {  	_ =	swait.ge [sflag:s22], $0x4000  }
0xd0: {  	[sflag:s22] =	ssyncset.done $0x0  }
0xd1: {  	[sflag:s22] =	ssyncadd.s32 $0xFFFFC000  }
0xd2: {  	[tilespmem:s11], [sflag:$0x4] =	stream.indirect.gather [hbm4b:s3+s6], $0x80, s21, s6, $0xb8;
	[tilespmem:$0x10400] =	vst v63  }
0xd3: {  	_ =	swait.ge [sflag:s14], $0x4000  }
0xd4: {  	[sflag:s14] =	ssyncset.done $0x0  }
0xd5: {  	[sflag:s14] =	ssyncadd.s32 $0xFFFFC000  }
0xd6: {  	[hbm4b:s29+s4] =	stream.linear.scatter [tilespmem:s9], [sflag:$0x7], $0x4000, $0x38;
	[tilespmem:$0x10400] =	vst v63  }
0xd7: {  	_ =	swait.ge [sflag:s15], $0x4000  }
0xd8: {  	[sflag:s15] =	ssyncset.done $0x0  }
0xd9: {  	[sflag:s15] =	ssyncadd.s32 $0xFFFFC000  }
0xda: {  	[tilespmem:s7], [sflag:$0x1] =	stream.indirect.gather [hbm4b:s3+s6], $0x80, s23, s6, $0xb8;
	[tilespmem:$0x10400] =	vst v63  }
0xdb: {  	_ =	swait.ge [sflag:s17], $0x4000  }
0xdc: {  	[sflag:s17] =	ssyncset.done $0x0  }
0xdd: {  	[sflag:s17] =	ssyncadd.s32 $0xFFFFC000  }
0xde: {  	[hbm4b:s30+s4] =	stream.linear.scatter [tilespmem:s11], [sflag:$0x8], $0x4000, $0x38;
	[tilespmem:$0x10400] =	vst v63  }
0xdf: {  	_ =	swait.ge [sflag:s12], $0x4000  }
0xe0: {  	[sflag:s12] =	ssyncset.done $0x0  }
0xe1: {  	[sflag:s12] =	ssyncadd.s32 $0xFFFFC000  }
0xe2: {  	[hbm4b:s31+s4] =	stream.linear.scatter [tilespmem:s7], [sflag:$0x5], $0x4000, $0x38;
	[tilespmem:$0x10400] =	vst v63  }
0xe3: {  	_ =	swait.ge [sflag:s22], $0x4000  }
0xe4: {  	[sflag:s22] =	ssyncset.done $0x0  }
0xe5: {  	[sflag:s22] =	ssyncadd.s32 $0xFFFFC000  }
0xe6: {  	_ =	swait.ge [sflag:s15], $0x4000  }
0xe7: {  	p0 =	sne.s32 s1, $0x1;
	[sflag:s15] =	ssyncset.done $0x0  }
.Ltmp1:
0xe8: {  	[sflag:s15] =	ssyncadd.s32 $0xFFFFC000;
	(pc) =	sbr.rel @p0 .LBB2_1-.Ltmp1, $4  }
0xe9: {  	_ =	swait.ge [sflag:s18], $0x4000  }
0xea: {  	[sflag:s18] =	ssyncset.done $0x0  }
0xeb: {  	[sflag:s18] =	ssyncadd.s32 $0xFFFFC000  }
0xec: {  	s1 =	sadd.s32 $0xFFFFFFFF, s1;
	_ =	swait.ge [sflag:s20], $0x4000  }
.LBB2_2:
0xed: {  	[sflag:s20] =	ssyncset.done $0x0  }
0xee: {  	[sflag:s20] =	ssyncadd.s32 $0xFFFFC000  }
0xef: {  	_ =	sfence.sel $0x180000  }
0xf0: {  	[bflag:$0x0] =	sbarrier.arrive $0xFFFF  }
0xf1: {  	_ =	strace $0x90000047  }
0xf2: {  	s0 =	stileid.u32;
	[bflag:$0x2] =	sbarrier.arrive $0xFFFF  }
0xf3: {  	p0 =	sne.s32 s0, $0x0;
	s0 =	rddreg [dreg:$0x4]  }
0xf4: {  	s0 =	sadd.s32 @!p0 $0x100000, s0  }
0xf5: {  	[sflag:s0] =	ssyncadd.tile.s32 @!p0 $0x1;
	_ =	shalt  }
.Lfunc_end2:
_tile_overlayer_lowered:
.L_overlay_start_2:
0xf6: {  	(tag) =	ssettag $0x2  }
0xf7: {  	s0 =	rddreg [dreg:$0x0];
	s2 =	stileid.u32  }
0xf8: {  	s1 =	rddreg [dreg:$0x1];
	p0 =	sne.s32 s2, $0x0  }
0xf9: {  	s3 =	rddreg [dreg:$0x2];
	[bflag:$0x3] =	sbarrier.arrive $0xFFFF;
	s2 =	simm.s32 @!p0 $0x1C09  }
0xfa: {  	[timem:s3], [sflag:s2] =	dma.local @!p0 [hbm:s0], s1  }
0xfb: {  	s0 =	simm.s32 @!p0 $0x9  }
0xfc: {  	_ =	swait.ge @!p0 [sflag:s0], s1  }
0xfd: {  	s1 =	ssub.s32 @!p0 $0x0, s1;
	[sflag:s0] =	ssyncset.done @!p0 $0x0  }
0xfe: {  	[sflag:s0] =	ssyncadd.s32 @!p0 s1  }
0xff: {  	[bflag:$0x3] =	sbarrier.arrive $0xFFFF  }
0x100: {  	_ =	shalt  }

</sc_bundles>
